<compile_context>
chip_gen: v7x
topology: tpu7x:2x2x1
jax: 0.10.2.dev20260603
libtpu: 0.0.44.dev20260713+nightly
codegen_flags: <defaults>
</compile_context>

<pallas_src>
import functools

import jax
import jax.numpy as jnp
from jax import lax
from jax.experimental import pallas as pl
from jax.experimental.pallas import tpu as pltpu
from jax.experimental.pallas import tpu_sc as plsc

_CLASS_RANGE = (40., 40., 40., 50., 50., 50., 50., 50., 50., 30., 30.)
_NCLS = 11
_IOU_THR = 0.3
_B = 128
_NP = 6400
_NB = _NP // _B

_SC_NC = 2
_SC_NS = 16
_NW = _SC_NC * _SC_NS
_PACKD = 128
_VPAD = 5008


def _sc_permute(packed, src):
    b_per_w = _NP // _NW
    chunk = 200
    mesh = plsc.VectorSubcoreMesh(core_axis_name="c", subcore_axis_name="s")

    @functools.partial(
        pl.kernel, mesh=mesh,
        out_type=jax.ShapeDtypeStruct((_NP, _PACKD), jnp.float32),
        scratch_types=[
            pltpu.VMEM((chunk,), jnp.int32),
            pltpu.VMEM((chunk, _PACKD), jnp.float32),
            pltpu.SemaphoreType.DMA,
        ],
    )
    def k(packed_hbm, src_hbm, out_hbm, idx_v, rows_v, sem):
        wid = lax.axis_index("s") * _SC_NC + lax.axis_index("c")
        for j in range(b_per_w // chunk):
            base = wid * b_per_w + j * chunk
            pltpu.sync_copy(src_hbm.at[pl.ds(base, chunk)], idx_v)
            pltpu.async_copy(packed_hbm.at[idx_v], rows_v, sem).wait()
            pltpu.sync_copy(rows_v, out_hbm.at[pl.ds(base, chunk)])

    return k(packed, src)


def _prep_kernel(b3t_ref, s_ref, s3_ref, cls_ref, ext_ref,
                 scores_ref, feat_ref, validf_ref, b3o_ref):
    cx = b3t_ref[0:1, :]
    cy = b3t_ref[1:2, :]
    cz = b3t_ref[2:3, :]
    clsf = cls_ref[0:1, :].astype(jnp.float32)
    rng = jnp.zeros_like(cx)
    for k, r in enumerate(_CLASS_RANGE):
        rng = jnp.where(clsf == float(k), r, rng)
    dist = jnp.sqrt(cx * cx + cy * cy + cz * cz)
    validf = (dist < rng).astype(jnp.float32)
    validf_ref[0:1, :] = validf
    sc = s_ref[0:1, :] * s3_ref[0:1, :] * validf
    scores_ref[0:1, :] = sc

    def _bf(v):
        return v.astype(jnp.bfloat16).astype(jnp.float32)

    R = [[ext_ref[i, j] for j in range(3)] for i in range(3)]
    t = [ext_ref[i, 3] for i in range(3)]
    cxb, cyb, czb = _bf(cx), _bf(cy), _bf(cz)
    cw = [cxb * R[i][0] + cyb * R[i][1] + czb * R[i][2] + t[i]
          for i in range(3)]
    for i in range(3):
        b3o_ref[i:i + 1, :] = cw[i]
        b3o_ref[3 + i:4 + i, :] = b3t_ref[3 + i:4 + i, :]
    o6 = _bf(b3t_ref[6:7, :])
    o7 = _bf(b3t_ref[7:8, :])
    o8 = _bf(b3t_ref[8:9, :])
    v9 = _bf(b3t_ref[9:10, :])
    v10 = _bf(b3t_ref[10:11, :])
    v11 = _bf(b3t_ref[11:12, :])
    for i in range(3):
        b3o_ref[6 + i:7 + i, :] = o6 * R[i][0] + o7 * R[i][1] + o8 * R[i][2]
        b3o_ref[9 + i:10 + i, :] = v9 * R[i][0] + v10 * R[i][1] + v11 * R[i][2]

    w = jnp.abs(b3t_ref[3:4, :]) + 0.5
    l = jnp.abs(b3t_ref[5:6, :]) + 0.5
    x = cw[0]
    z = cw[2]
    feat_ref[0:1, :] = x - w * 0.5
    feat_ref[1:2, :] = x + w * 0.5
    feat_ref[2:3, :] = z - l * 0.5
    feat_ref[3:4, :] = z + l * 0.5
    feat_ref[4:5, :] = w * l


def _nms_kernel(start_ref, rowref, colref, keep_ref, krow_buf):
    b = pl.program_id(0)

    @pl.when(b == 0)
    def _init():
        keep_ref[:, :] = jnp.zeros((_NP, 1), jnp.float32)
        krow_buf[:, :] = jnp.zeros((1, _NP), jnp.float32)

    blk = pl.ds(b * _B, _B)
    bx1 = rowref[0:1, blk]
    bx2 = rowref[1:2, blk]
    bz1 = rowref[2:3, blk]
    bz2 = rowref[3:4, blk]
    bar = rowref[4:5, blk]
    bcls = rowref[5:6, blk]
    cx1 = colref[blk, 0:1]
    cx2 = colref[blk, 1:2]
    cz1 = colref[blk, 2:3]
    cz2 = colref[blk, 3:4]
    car = colref[blk, 4:5]
    ccls = colref[blk, 5:6]

    def _sup_rowform(ch):
        ax1 = colref[ch, 0:1]
        ax2 = colref[ch, 1:2]
        az1 = colref[ch, 2:3]
        az2 = colref[ch, 3:4]
        aar = colref[ch, 4:5]
        acls = colref[ch, 5:6]
        ix = jnp.maximum(jnp.minimum(ax2, bx2) - jnp.maximum(ax1, bx1), 0.0)
        iz = jnp.maximum(jnp.minimum(az2, bz2) - jnp.maximum(az1, bz1), 0.0)
        inter = ix * iz
        union = aar + bar - inter
        iou = inter / jnp.maximum(union, 1e-9)
        return jnp.logical_and(iou > _IOU_THR, acls == bcls).astype(jnp.float32)

    def _sup_colform(ch):
        ax1 = rowref[0:1, ch]
        ax2 = rowref[1:2, ch]
        az1 = rowref[2:3, ch]
        az2 = rowref[3:4, ch]
        aar = rowref[4:5, ch]
        acls = rowref[5:6, ch]
        ix = jnp.maximum(jnp.minimum(ax2, cx2) - jnp.maximum(ax1, cx1), 0.0)
        iz = jnp.maximum(jnp.minimum(az2, cz2) - jnp.maximum(az1, cz1), 0.0)
        inter = ix * iz
        union = aar + car - inter
        iou = inter / jnp.maximum(union, 1e-9)
        return jnp.logical_and(iou > _IOU_THR, acls == ccls).astype(jnp.float32)

    def chunk_body(kb, pre):
        ch = pl.ds(kb * _B, _B)
        kcol = keep_ref[ch, 0:1]
        krow = krow_buf[0:1, ch]
        pre_row = jnp.maximum(
            pre[0], jnp.max(_sup_rowform(ch) * kcol, axis=0, keepdims=True))
        pre_col = jnp.maximum(
            pre[1], jnp.max(_sup_colform(ch) * krow, axis=1, keepdims=True))
        return (pre_row, pre_col)

    pre_row, pre_col = jax.lax.fori_loop(
        start_ref[b], b, chunk_body,
        (jnp.zeros((1, _B), jnp.float32), jnp.zeros((_B, 1), jnp.float32)))

    sub = jax.lax.broadcasted_iota(jnp.int32, (_B, _B), 0)
    lan = jax.lax.broadcasted_iota(jnp.int32, (_B, _B), 1)
    m = _sup_rowform(blk)
    mlow = m * (sub < lan).astype(jnp.float32)
    mupp = m * (lan < sub).astype(jnp.float32)

    def _row_phase(alive_col):
        dead_row = jnp.maximum(
            pre_row, jnp.max(mlow * alive_col, axis=0, keepdims=True))
        return 1.0 - dead_row

    def cond(c):
        return c[1] > 0.0

    def body(c):
        alive_col, _ = c
        alive_row = _row_phase(alive_col)
        dead_col = jnp.maximum(
            pre_col, jnp.max(mupp * alive_row, axis=1, keepdims=True))
        new_col = 1.0 - dead_col
        changed = jnp.max(jnp.abs(new_col - alive_col))
        return (new_col, changed)

    alive_col, _ = jax.lax.while_loop(
        cond, body, (jnp.ones((_B, 1), jnp.float32), jnp.float32(1.0)))
    keep_ref[blk, 0:1] = alive_col
    krow_buf[0:1, blk] = _row_phase(alive_col)


def _out_kernel(boxes_ref, b3_ref, sc_ref, emb_ref, keep_ref, out_ref):
    k = keep_ref[:, 0:1]
    out_ref[:, 0:4] = boxes_ref[:, :] * k
    out_ref[:, 4:16] = b3_ref[:, :] * k
    out_ref[:, 16:17] = sc_ref[:, :] * k
    out_ref[:, 17:273] = emb_ref[:, :] * k


def _run_prep(b3t, s, s3, cls, extrinsics):
    n = s.shape[1]
    rot = extrinsics[:3, :3].astype(jnp.bfloat16).astype(jnp.float32)
    extrinsics = jnp.concatenate(
        [jnp.concatenate([rot, extrinsics[:3, 3:4]], axis=1),
         extrinsics[3:4, :]], axis=0)
    return pl.pallas_call(
        _prep_kernel,
        in_specs=[
            pl.BlockSpec(memory_space=pltpu.VMEM),
            pl.BlockSpec(memory_space=pltpu.VMEM),
            pl.BlockSpec(memory_space=pltpu.VMEM),
            pl.BlockSpec(memory_space=pltpu.VMEM),
            pl.BlockSpec(memory_space=pltpu.SMEM),
        ],
        out_shape=(
            jax.ShapeDtypeStruct((1, n), jnp.float32),
            jax.ShapeDtypeStruct((5, n), jnp.float32),
            jax.ShapeDtypeStruct((1, n), jnp.float32),
            jax.ShapeDtypeStruct((12, n), jnp.float32),
        ),
    )(b3t, s, s3, cls, extrinsics)


def _run_nms(start_blk, perm):
    perm = perm[:, :8]
    permT = perm.T
    return pl.pallas_call(
        _nms_kernel,
        grid=(_NB,),
        in_specs=[
            pl.BlockSpec(memory_space=pltpu.SMEM),
            pl.BlockSpec(permT.shape, lambda b: (0, 0)),
            pl.BlockSpec(perm.shape, lambda b: (0, 0)),
        ],
        out_specs=pl.BlockSpec((_NP, 1), lambda b: (0, 0)),
        out_shape=jax.ShapeDtypeStruct((_NP, 1), jnp.float32),
        scratch_shapes=[pltpu.VMEM((1, _NP), jnp.float32)],
        compiler_params=pltpu.CompilerParams(
            dimension_semantics=("arbitrary",)),
    )(start_blk, permT, perm)


def kernel(det_boxes, det_scores, det_boxes_3d, det_scores_3d, embeddings,
           extrinsics, det_class_ids):
    n = det_scores.shape[0]
    b3t = det_boxes_3d.T
    s = det_scores.reshape(1, n)
    s3 = det_scores_3d.reshape(1, n)
    cls = det_class_ids.astype(jnp.int32).reshape(1, n)

    scores, feat, validf, b3o = _run_prep(b3t, s, s3, cls, extrinsics)

    scores1 = scores[0]
    clsi = cls[0]
    key = clsi.astype(jnp.float32) * 2.0 - scores1
    order = jnp.argsort(key)
    cs = clsi[order]
    counts = jnp.sum(
        (clsi[None, :] == jnp.arange(_NCLS, dtype=clsi.dtype)[:, None])
        .astype(jnp.int32), axis=1)
    padded = ((counts + _B - 1) // _B) * _B
    seg_off = jnp.concatenate(
        [jnp.zeros((1,), counts.dtype), jnp.cumsum(padded)[:-1]])
    cls_start = jnp.concatenate(
        [jnp.zeros((1,), counts.dtype), jnp.cumsum(counts)[:-1]])
    pos = seg_off[cs] + (jnp.arange(n, dtype=counts.dtype) - cls_start[cs])
    packT = jnp.zeros((_PACKD, _VPAD), jnp.float32)
    packT = packT.at[0:5, :n].set(feat)
    packT = packT.at[5, :].set(-1.0).at[5, :n].set(clsi.astype(jnp.float32))
    packed = packT.T
    src = jnp.full((_NP,), n, jnp.int32).at[pos].set(order.astype(jnp.int32))
    perm = _sc_permute(packed, src)
    bidx = jnp.arange(_NB, dtype=jnp.int32)
    seg_end = jnp.cumsum(padded)
    cob = jnp.sum((seg_end[:, None] <= (bidx * _B)[None, :]).astype(jnp.int32),
                  axis=0)
    total = seg_end[-1]
    start_blk = jnp.where(
        bidx * _B < total,
        (seg_off[jnp.minimum(cob, _NCLS - 1)] // _B).astype(jnp.int32),
        bidx)
    posoforig = jnp.zeros((n,), jnp.int32).at[order].set(pos.astype(jnp.int32))
    keep = _run_nms(start_blk, perm)
    keepf = (keep[posoforig, 0] * validf[0]).reshape(n, 1)

    out = pl.pallas_call(
        _out_kernel,
        out_shape=jax.ShapeDtypeStruct((n, 273), jnp.float32),
    )(det_boxes, b3o.T, scores1.reshape(n, 1), embeddings, keepf)
    return out

# --- scband reference (transcript-rebuilt; emitter-appended) ---
"""Pipeline reference for scband-faster-rcnncc3-dt-86543591015028 (READ-ONLY COPY).

The authoritative reference and input builder live on the scoring server;
editing this copy changes nothing except your own understanding.
"""

import jax, jax.numpy as jnp
import numpy as np

CLASS_RANGE = jnp.array([40., 40., 40., 50., 50., 50., 50., 50., 50., 30., 30.], dtype=jnp.float32)
IOU_THR = 0.3
N = 5000


def setup_inputs(seed: int = 0) -> dict:
    key = jax.random.key(seed)
    ks = jax.random.split(key, 8)
    det_boxes = jax.random.normal(ks[0], (N, 4), dtype=jnp.float32)
    det_scores = jax.random.uniform(ks[1], (N,), dtype=jnp.float32)
    det_boxes_3d = jax.random.normal(ks[2], (N, 12), dtype=jnp.float32)
    # spread 3D centers so the per-class distance filter (30-50m) is nontrivial
    det_boxes_3d = det_boxes_3d.at[:, :3].multiply(25.0)
    det_scores_3d = jax.random.uniform(ks[3], (N,), dtype=jnp.float32)
    det_class_ids = jax.random.randint(ks[4], (N,), 0, 11, dtype=jnp.int64) if jax.config.jax_enable_x64 else jax.random.randint(ks[4], (N,), 0, 11, dtype=jnp.int32)
    embeddings = jax.random.normal(ks[5], (N, 256), dtype=jnp.float32)
    ang = 0.3
    c, s = np.cos(ang), np.sin(ang)
    E = np.eye(4, dtype=np.float32)
    E[:3, :3] = np.array([[c, 0, s], [0, 1, 0], [-s, 0, c]], dtype=np.float32)
    E[:3, 3] = np.array([1.0, 0.2, -2.0], dtype=np.float32)
    extrinsics = jnp.asarray(E)
    return {
        'det_boxes': det_boxes,
        'det_scores': det_scores,
        'det_boxes_3d': det_boxes_3d,
        'det_scores_3d': det_scores_3d,
        'embeddings': embeddings,
        'extrinsics': extrinsics,
        'det_class_ids': det_class_ids,
    }


def _bev_iou(bev):
    x, z, w, l = bev[:, 0], bev[:, 1], bev[:, 2], bev[:, 3]
    x1, x2 = x - w / 2, x + w / 2
    z1, z2 = z - l / 2, z + l / 2
    ix = jnp.maximum(0.0, jnp.minimum(x2[:, None], x2[None, :]) - jnp.maximum(x1[:, None], x1[None, :]))
    iz = jnp.maximum(0.0, jnp.minimum(z2[:, None], z2[None, :]) - jnp.maximum(z1[:, None], z1[None, :]))
    inter = ix * iz
    area = w * l
    union = area[:, None] + area[None, :] - inter
    return inter / jnp.maximum(union, 1e-9)


def _bev_3d_nms(bev, scores, class_ids, iou_thr):
    n = scores.shape[0]
    order = jnp.argsort(-scores)
    iou = _bev_iou(bev[order])
    cls_sorted = class_ids[order]
    same = cls_sorted[:, None] == cls_sorted[None, :]
    sup = (iou > iou_thr) & same
    idx = jnp.arange(n)

    def body(i, keep):
        suppressed = jnp.any(sup[i] & keep & (idx < i))
        return keep.at[i].set(jnp.logical_not(suppressed))

    keep_sorted = jax.lax.fori_loop(0, n, body, jnp.ones((n,), dtype=bool))
    keep = jnp.zeros((n,), dtype=bool).at[order].set(keep_sorted)
    return keep


def reference(det_boxes, det_scores, det_boxes_3d, det_scores_3d, embeddings, extrinsics, det_class_ids):
    centers = det_boxes_3d[:, :3]
    # filter_distance: per-class max range
    valid = jnp.linalg.norm(centers, axis=1) < CLASS_RANGE[det_class_ids]
    validf = valid.astype(jnp.float32)
    # transform_points / rotate_orientation / rotate_velocities with extrinsics
    R = extrinsics[:3, :3]
    t = extrinsics[:3, 3]
    c_w = centers @ R.T + t
    orient = det_boxes_3d[:, 6:9] @ R.T
    vel = det_boxes_3d[:, 9:12] @ R.T
    boxes_3d_t = jnp.concatenate([c_w, det_boxes_3d[:, 3:6], orient, vel], axis=1)
    # combined score used for bev_3d_nms: det_scores * det_scores_3d
    scores_comb = det_scores * det_scores_3d * validf
    bev = jnp.stack([c_w[:, 0], c_w[:, 2], jnp.abs(det_boxes_3d[:, 3]) + 0.5, jnp.abs(det_boxes_3d[:, 5]) + 0.5], axis=1)
    keep = _bev_3d_nms(jax.lax.stop_gradient(bev), jax.lax.stop_gradient(scores_comb), det_class_ids, IOU_THR)
    keepf = (keep & valid).astype(jnp.float32)
    out = jnp.concatenate([det_boxes, boxes_3d_t, scores_comb[:, None], embeddings], axis=1) * keepf[:, None]
    return out

if __name__ == "__main__":
    import jax
    _d = setup_inputs()
    print(jax.jit(kernel)(*tuple(_d.values())))

</pallas_src>

<mosaic_0001>
#map = affine_map<(d0, d1) -> (0, 0)>
#map1 = affine_map<(d0, d1) -> (0)>
module attributes {stable_mosaic.version = 14 : i64} {
  func.func @k(%arg0: i32, %arg1: i32, %arg2: memref<5008x128xf32, #tpu.memory_space<hbm>>, %arg3: memref<6400xi32, #tpu.memory_space<hbm>>, %arg4: memref<6400x128xf32, #tpu.memory_space<hbm>>, %arg5: memref<200xi32, #tpu.memory_space<vmem>>, %arg6: memref<200x128xf32, #tpu.memory_space<vmem>>, %arg7: memref<!tpu.dma_semaphore, #tpu.memory_space<semaphore_mem>>) attributes {dimension_semantics = [#tpu.dimension_semantics<core_parallel>, #tpu.dimension_semantics<subcore_parallel>], iteration_bounds = array<i64: 2, 16>, scalar_prefetch = 0 : i64, scratch_operands = 3 : i64, tpu.core_type = #tpu.core_type<sc_vector_subcore>, window_params = [{transform_indices = #map}, {transform_indices = #map1}, {transform_indices = #map}]} {
    %mul3A = arith.constant 2 : i32
    %mul3A_0 = arith.muli %arg1, %mul3A : i32
    %add3A = arith.addi %mul3A_0, %arg0 : i32
    %mul3A_1 = arith.constant 200 : i32
    %mul3A_2 = arith.muli %add3A, %mul3A_1 : i32
    %add3A_3 = arith.constant 0 : i32
    %add3A_4 = arith.addi %mul3A_2, %add3A_3 : i32
    "tpu.region"() ({
      %run_scoped3A = tpu.sem_alloc : memref<!tpu.dma_semaphore, #tpu.memory_space<semaphore_mem>>
      %dma_start3A_9 = tpu.memref_slice %arg3[%add3A_4] : memref<6400xi32, #tpu.memory_space<hbm>> -> memref<200xi32, #tpu.memory_space<hbm>>
      %dma_start3A_10 = tpu.memref_slice %arg3[%add3A_4] : memref<6400xi32, #tpu.memory_space<hbm>> -> memref<200xi32, #tpu.memory_space<hbm>>
      tpu.enqueue_dma source(%dma_start3A_10 : memref<200xi32, #tpu.memory_space<hbm>>) target(%arg5 : memref<200xi32, #tpu.memory_space<vmem>>) target_semaphore(%run_scoped3A : memref<!tpu.dma_semaphore, #tpu.memory_space<semaphore_mem>>)
      %dma_wait3A_11 = tpu.memref_slice %arg3[%add3A_4] : memref<6400xi32, #tpu.memory_space<hbm>> -> memref<200xi32, #tpu.memory_space<hbm>>
      %dma_wait3A_12 = tpu.memref_slice %arg3[%add3A_4] : memref<6400xi32, #tpu.memory_space<hbm>> -> memref<200xi32, #tpu.memory_space<hbm>>
      tpu.wait_dma2 semaphore(%run_scoped3A : memref<!tpu.dma_semaphore, #tpu.memory_space<semaphore_mem>>) src(%dma_wait3A_12 : memref<200xi32, #tpu.memory_space<hbm>>) dst(%arg5 : memref<200xi32, #tpu.memory_space<vmem>>)
      tpu.yield
    }) : () -> ()
    %dma_start3A = arith.constant 0 : i32
    %dma_start3A_5 = arith.constant 0 : i32
    %dma_start3A_6 = tpu.memref_slice %arg2[%dma_start3A, %dma_start3A_5] : memref<5008x128xf32, #tpu.memory_space<hbm>> -> memref<5008x128xf32, #tpu.memory_space<hbm>>
    tpu.enqueue_indirect_dma source(%dma_start3A_6 : memref<5008x128xf32, #tpu.memory_space<hbm>>) target(%arg6 : memref<200x128xf32, #tpu.memory_space<vmem>>) offsets(%arg5 : memref<200xi32, #tpu.memory_space<vmem>>) semaphore(%arg7 : memref<!tpu.dma_semaphore, #tpu.memory_space<semaphore_mem>>)
    %dma_wait3A = arith.constant 0 : i32
    %dma_wait3A_7 = arith.constant 0 : i32
    %dma_wait3A_8 = tpu.memref_slice %arg2[%dma_wait3A, %dma_wait3A_7] : memref<5008x128xf32, #tpu.memory_space<hbm>> -> memref<5008x128xf32, #tpu.memory_space<hbm>>
    tpu.wait_indirect_dma semaphore(%arg7 : memref<!tpu.dma_semaphore, #tpu.memory_space<semaphore_mem>>) src(%dma_wait3A_8 : memref<5008x128xf32, #tpu.memory_space<hbm>>) dst(%arg6 : memref<200x128xf32, #tpu.memory_space<vmem>>)
    "tpu.region"() ({
      %run_scoped3A = tpu.sem_alloc : memref<!tpu.dma_semaphore, #tpu.memory_space<semaphore_mem>>
      %dma_start3A_9 = arith.constant 0 : i32
      %dma_start3A_10 = tpu.memref_slice %arg4[%add3A_4, %dma_start3A_9] : memref<6400x128xf32, #tpu.memory_space<hbm>> -> memref<200x128xf32, #tpu.memory_space<hbm>>
      %dma_start3A_11 = arith.constant 0 : i32
      %dma_start3A_12 = tpu.memref_slice %arg4[%add3A_4, %dma_start3A_11] : memref<6400x128xf32, #tpu.memory_space<hbm>> -> memref<200x128xf32, #tpu.memory_space<hbm>>
      tpu.enqueue_dma source(%arg6 : memref<200x128xf32, #tpu.memory_space<vmem>>) target(%dma_start3A_12 : memref<200x128xf32, #tpu.memory_space<hbm>>) target_semaphore(%run_scoped3A : memref<!tpu.dma_semaphore, #tpu.memory_space<semaphore_mem>>)
      %dma_wait3A_13 = arith.constant 0 : i32
      %dma_wait3A_14 = tpu.memref_slice %arg4[%add3A_4, %dma_wait3A_13] : memref<6400x128xf32, #tpu.memory_space<hbm>> -> memref<200x128xf32, #tpu.memory_space<hbm>>
      %dma_wait3A_15 = arith.constant 0 : i32
      %dma_wait3A_16 = tpu.memref_slice %arg4[%add3A_4, %dma_wait3A_15] : memref<6400x128xf32, #tpu.memory_space<hbm>> -> memref<200x128xf32, #tpu.memory_space<hbm>>
      tpu.wait_dma2 semaphore(%run_scoped3A : memref<!tpu.dma_semaphore, #tpu.memory_space<semaphore_mem>>) src(%arg6 : memref<200x128xf32, #tpu.memory_space<vmem>>) dst(%dma_wait3A_16 : memref<200x128xf32, #tpu.memory_space<hbm>>)
      tpu.yield
    }) : () -> ()
    return
  }
}

module attributes {stable_mosaic.version = 14 : i64} {
  func.func @_prep_kernel(%arg0: memref<12x5000xf32, #tpu.memory_space<vmem>>, %arg1: memref<1x5000xf32, #tpu.memory_space<vmem>>, %arg2: memref<1x5000xf32, #tpu.memory_space<vmem>>, %arg3: memref<1x5000xi32, #tpu.memory_space<vmem>>, %arg4: memref<4x4xf32, #tpu.memory_space<smem>>, %arg5: memref<1x5000xf32, #tpu.memory_space<vmem>>, %arg6: memref<5x5000xf32, #tpu.memory_space<vmem>>, %arg7: memref<1x5000xf32, #tpu.memory_space<vmem>>, %arg8: memref<12x5000xf32, #tpu.memory_space<vmem>>) attributes {dimension_semantics = [], scalar_prefetch = 0 : i64, scratch_operands = 0 : i64, tpu.core_type = #tpu.core_type<tc>} {
    %get3A = arith.constant 0 : index
    %get3A_0 = arith.constant 0 : index
    %get3A_1 = vector.load %arg0[%get3A, %get3A_0] : memref<12x5000xf32, #tpu.memory_space<vmem>>, vector<1x5000xf32>
    %get3A_2 = arith.constant 1 : index
    %get3A_3 = arith.constant 0 : index
    %get3A_4 = vector.load %arg0[%get3A_2, %get3A_3] : memref<12x5000xf32, #tpu.memory_space<vmem>>, vector<1x5000xf32>
    %get3A_5 = arith.constant 2 : index
    %get3A_6 = arith.constant 0 : index
    %get3A_7 = vector.load %arg0[%get3A_5, %get3A_6] : memref<12x5000xf32, #tpu.memory_space<vmem>>, vector<1x5000xf32>
    %get3A_8 = arith.constant 0 : index
    %get3A_9 = arith.constant 0 : index
    %get3A_10 = vector.load %arg3[%get3A_8, %get3A_9] : memref<1x5000xi32, #tpu.memory_space<vmem>>, vector<1x5000xi32>
    %convert_element_type3A = arith.sitofp %get3A_10 : vector<1x5000xi32> to vector<1x5000xf32>
    %broadcast_in_dim3A = arith.constant 0.000000e+00 : f32
    %broadcast_in_dim3A_11 = vector.broadcast %broadcast_in_dim3A : f32 to vector<1x5000xf32>
    %eq3A = arith.constant 0.000000e+00 : f32
    %eq3A_12 = vector.broadcast %eq3A : f32 to vector<1x5000xf32>
    %eq3A_13 = arith.cmpf oeq, %convert_element_type3A, %eq3A_12 : vector<1x5000xf32>
    %jit3A = arith.constant 4.000000e+01 : f32
    %broadcast_in_dim3A_14 = vector.broadcast %jit3A : f32 to vector<1x5000xf32>
    %select_n3A = arith.select %eq3A_13, %broadcast_in_dim3A_14, %broadcast_in_dim3A_11 : vector<1x5000xi1>, vector<1x5000xf32>
    %eq3A_15 = arith.constant 1.000000e+00 : f32
    %eq3A_16 = vector.broadcast %eq3A_15 : f32 to vector<1x5000xf32>
    %eq3A_17 = arith.cmpf oeq, %convert_element_type3A, %eq3A_16 : vector<1x5000xf32>
    %jit3A_18 = arith.constant 4.000000e+01 : f32
    %broadcast_in_dim3A_19 = vector.broadcast %jit3A_18 : f32 to vector<1x5000xf32>
    %select_n3A_20 = arith.select %eq3A_17, %broadcast_in_dim3A_19, %select_n3A : vector<1x5000xi1>, vector<1x5000xf32>
    %eq3A_21 = arith.constant 2.000000e+00 : f32
    %eq3A_22 = vector.broadcast %eq3A_21 : f32 to vector<1x5000xf32>
    %eq3A_23 = arith.cmpf oeq, %convert_element_type3A, %eq3A_22 : vector<1x5000xf32>
    %jit3A_24 = arith.constant 4.000000e+01 : f32
    %broadcast_in_dim3A_25 = vector.broadcast %jit3A_24 : f32 to vector<1x5000xf32>
    %select_n3A_26 = arith.select %eq3A_23, %broadcast_in_dim3A_25, %select_n3A_20 : vector<1x5000xi1>, vector<1x5000xf32>
    %eq3A_27 = arith.constant 3.000000e+00 : f32
    %eq3A_28 = vector.broadcast %eq3A_27 : f32 to vector<1x5000xf32>
    %eq3A_29 = arith.cmpf oeq, %convert_element_type3A, %eq3A_28 : vector<1x5000xf32>
    %jit3A_30 = arith.constant 5.000000e+01 : f32
    %broadcast_in_dim3A_31 = vector.broadcast %jit3A_30 : f32 to vector<1x5000xf32>
    %select_n3A_32 = arith.select %eq3A_29, %broadcast_in_dim3A_31, %select_n3A_26 : vector<1x5000xi1>, vector<1x5000xf32>
    %eq3A_33 = arith.constant 4.000000e+00 : f32
    %eq3A_34 = vector.broadcast %eq3A_33 : f32 to vector<1x5000xf32>
    %eq3A_35 = arith.cmpf oeq, %convert_element_type3A, %eq3A_34 : vector<1x5000xf32>
    %jit3A_36 = arith.constant 5.000000e+01 : f32
    %broadcast_in_dim3A_37 = vector.broadcast %jit3A_36 : f32 to vector<1x5000xf32>
    %select_n3A_38 = arith.select %eq3A_35, %broadcast_in_dim3A_37, %select_n3A_32 : vector<1x5000xi1>, vector<1x5000xf32>
    %eq3A_39 = arith.constant 5.000000e+00 : f32
    %eq3A_40 = vector.broadcast %eq3A_39 : f32 to vector<1x5000xf32>
    %eq3A_41 = arith.cmpf oeq, %convert_element_type3A, %eq3A_40 : vector<1x5000xf32>
    %jit3A_42 = arith.constant 5.000000e+01 : f32
    %broadcast_in_dim3A_43 = vector.broadcast %jit3A_42 : f32 to vector<1x5000xf32>
    %select_n3A_44 = arith.select %eq3A_41, %broadcast_in_dim3A_43, %select_n3A_38 : vector<1x5000xi1>, vector<1x5000xf32>
    %eq3A_45 = arith.constant 6.000000e+00 : f32
    %eq3A_46 = vector.broadcast %eq3A_45 : f32 to vector<1x5000xf32>
    %eq3A_47 = arith.cmpf oeq, %convert_element_type3A, %eq3A_46 : vector<1x5000xf32>
    %jit3A_48 = arith.constant 5.000000e+01 : f32
    %broadcast_in_dim3A_49 = vector.broadcast %jit3A_48 : f32 to vector<1x5000xf32>
    %select_n3A_50 = arith.select %eq3A_47, %broadcast_in_dim3A_49, %select_n3A_44 : vector<1x5000xi1>, vector<1x5000xf32>
    %eq3A_51 = arith.constant 7.000000e+00 : f32
    %eq3A_52 = vector.broadcast %eq3A_51 : f32 to vector<1x5000xf32>
    %eq3A_53 = arith.cmpf oeq, %convert_element_type3A, %eq3A_52 : vector<1x5000xf32>
    %jit3A_54 = arith.constant 5.000000e+01 : f32
    %broadcast_in_dim3A_55 = vector.broadcast %jit3A_54 : f32 to vector<1x5000xf32>
    %select_n3A_56 = arith.select %eq3A_53, %broadcast_in_dim3A_55, %select_n3A_50 : vector<1x5000xi1>, vector<1x5000xf32>
    %eq3A_57 = arith.constant 8.000000e+00 : f32
    %eq3A_58 = vector.broadcast %eq3A_57 : f32 to vector<1x5000xf32>
    %eq3A_59 = arith.cmpf oeq, %convert_element_type3A, %eq3A_58 : vector<1x5000xf32>
    %jit3A_60 = arith.constant 5.000000e+01 : f32
    %broadcast_in_dim3A_61 = vector.broadcast %jit3A_60 : f32 to vector<1x5000xf32>
    %select_n3A_62 = arith.select %eq3A_59, %broadcast_in_dim3A_61, %select_n3A_56 : vector<1x5000xi1>, vector<1x5000xf32>
    %eq3A_63 = arith.constant 9.000000e+00 : f32
    %eq3A_64 = vector.broadcast %eq3A_63 : f32 to vector<1x5000xf32>
    %eq3A_65 = arith.cmpf oeq, %convert_element_type3A, %eq3A_64 : vector<1x5000xf32>
    %jit3A_66 = arith.constant 3.000000e+01 : f32
    %broadcast_in_dim3A_67 = vector.broadcast %jit3A_66 : f32 to vector<1x5000xf32>
    %select_n3A_68 = arith.select %eq3A_65, %broadcast_in_dim3A_67, %select_n3A_62 : vector<1x5000xi1>, vector<1x5000xf32>
    %eq3A_69 = arith.constant 1.000000e+01 : f32
    %eq3A_70 = vector.broadcast %eq3A_69 : f32 to vector<1x5000xf32>
    %eq3A_71 = arith.cmpf oeq, %convert_element_type3A, %eq3A_70 : vector<1x5000xf32>
    %jit3A_72 = arith.constant 3.000000e+01 : f32
    %broadcast_in_dim3A_73 = vector.broadcast %jit3A_72 : f32 to vector<1x5000xf32>
    %select_n3A_74 = arith.select %eq3A_71, %broadcast_in_dim3A_73, %select_n3A_68 : vector<1x5000xi1>, vector<1x5000xf32>
    %mul3A = arith.mulf %get3A_1, %get3A_1 : vector<1x5000xf32>
    %mul3A_75 = arith.mulf %get3A_4, %get3A_4 : vector<1x5000xf32>
    %add3A = arith.addf %mul3A, %mul3A_75 : vector<1x5000xf32>
    %mul3A_76 = arith.mulf %get3A_7, %get3A_7 : vector<1x5000xf32>
    %add3A_77 = arith.addf %add3A, %mul3A_76 : vector<1x5000xf32>
    %sqrt3A = math.sqrt %add3A_77 : vector<1x5000xf32>
    %lt3A = arith.cmpf olt, %sqrt3A, %select_n3A_74 : vector<1x5000xf32>
    %convert_element_type3A_78 = arith.extui %lt3A : vector<1x5000xi1> to vector<1x5000xi32>
    %convert_element_type3A_79 = arith.sitofp %convert_element_type3A_78 : vector<1x5000xi32> to vector<1x5000xf32>
    %swap3A = arith.constant 0 : index
    %swap3A_80 = arith.constant 0 : index
    %swap3A_81 = vector.load %arg7[%swap3A, %swap3A_80] : memref<1x5000xf32, #tpu.memory_space<vmem>>, vector<1x5000xf32>
    tpu.vector_store %arg7[%swap3A, %swap3A_80], %convert_element_type3A_79 {strides = array<i32>} : memref<1x5000xf32, #tpu.memory_space<vmem>>, vector<1x5000xf32>,
    %get3A_82 = arith.constant 0 : index
    %get3A_83 = arith.constant 0 : index
    %get3A_84 = vector.load %arg1[%get3A_82, %get3A_83] : memref<1x5000xf32, #tpu.memory_space<vmem>>, vector<1x5000xf32>
    %get3A_85 = arith.constant 0 : index
    %get3A_86 = arith.constant 0 : index
    %get3A_87 = vector.load %arg2[%get3A_85, %get3A_86] : memref<1x5000xf32, #tpu.memory_space<vmem>>, vector<1x5000xf32>
    %mul3A_88 = arith.mulf %get3A_84, %get3A_87 : vector<1x5000xf32>
    %mul3A_89 = arith.mulf %mul3A_88, %convert_element_type3A_79 : vector<1x5000xf32>
    %swap3A_90 = arith.constant 0 : index
    %swap3A_91 = arith.constant 0 : index
    %swap3A_92 = vector.load %arg5[%swap3A_90, %swap3A_91] : memref<1x5000xf32, #tpu.memory_space<vmem>>, vector<1x5000xf32>
    tpu.vector_store %arg5[%swap3A_90, %swap3A_91], %mul3A_89 {strides = array<i32>} : memref<1x5000xf32, #tpu.memory_space<vmem>>, vector<1x5000xf32>,
    %get3A_93 = arith.constant 0 : index
    %get3A_94 = arith.constant 0 : index
    %get3A_95 = memref.load %arg4[%get3A_93, %get3A_94] : memref<4x4xf32, #tpu.memory_space<smem>>
    %get3A_96 = arith.constant 0 : index
    %get3A_97 = arith.constant 1 : index
    %get3A_98 = memref.load %arg4[%get3A_96, %get3A_97] : memref<4x4xf32, #tpu.memory_space<smem>>
    %get3A_99 = arith.constant 0 : index
    %get3A_100 = arith.constant 2 : index
    %get3A_101 = memref.load %arg4[%get3A_99, %get3A_100] : memref<4x4xf32, #tpu.memory_space<smem>>
    %get3A_102 = arith.constant 1 : index
    %get3A_103 = arith.constant 0 : index
    %get3A_104 = memref.load %arg4[%get3A_102, %get3A_103] : memref<4x4xf32, #tpu.memory_space<smem>>
    %get3A_105 = arith.constant 1 : index
    %get3A_106 = arith.constant 1 : index
    %get3A_107 = memref.load %arg4[%get3A_105, %get3A_106] : memref<4x4xf32, #tpu.memory_space<smem>>
    %get3A_108 = arith.constant 1 : index
    %get3A_109 = arith.constant 2 : index
    %get3A_110 = memref.load %arg4[%get3A_108, %get3A_109] : memref<4x4xf32, #tpu.memory_space<smem>>
    %get3A_111 = arith.constant 2 : index
    %get3A_112 = arith.constant 0 : index
    %get3A_113 = memref.load %arg4[%get3A_111, %get3A_112] : memref<4x4xf32, #tpu.memory_space<smem>>
    %get3A_114 = arith.constant 2 : index
    %get3A_115 = arith.constant 1 : index
    %get3A_116 = memref.load %arg4[%get3A_114, %get3A_115] : memref<4x4xf32, #tpu.memory_space<smem>>
    %get3A_117 = arith.constant 2 : index
    %get3A_118 = arith.constant 2 : index
    %get3A_119 = memref.load %arg4[%get3A_117, %get3A_118] : memref<4x4xf32, #tpu.memory_space<smem>>
    %get3A_120 = arith.constant 0 : index
    %get3A_121 = arith.constant 3 : index
    %get3A_122 = memref.load %arg4[%get3A_120, %get3A_121] : memref<4x4xf32, #tpu.memory_space<smem>>
    %get3A_123 = arith.constant 1 : index
    %get3A_124 = arith.constant 3 : index
    %get3A_125 = memref.load %arg4[%get3A_123, %get3A_124] : memref<4x4xf32, #tpu.memory_space<smem>>
    %get3A_126 = arith.constant 2 : index
    %get3A_127 = arith.constant 3 : index
    %get3A_128 = memref.load %arg4[%get3A_126, %get3A_127] : memref<4x4xf32, #tpu.memory_space<smem>>
    %convert_element_type3A_129 = arith.truncf %get3A_1 : vector<1x5000xf32> to vector<1x5000xbf16>
    %convert_element_type3A_130 = arith.extf %convert_element_type3A_129 : vector<1x5000xbf16> to vector<1x5000xf32>
    %convert_element_type3A_131 = arith.truncf %get3A_4 : vector<1x5000xf32> to vector<1x5000xbf16>
    %convert_element_type3A_132 = arith.extf %convert_element_type3A_131 : vector<1x5000xbf16> to vector<1x5000xf32>
    %convert_element_type3A_133 = arith.truncf %get3A_7 : vector<1x5000xf32> to vector<1x5000xbf16>
    %convert_element_type3A_134 = arith.extf %convert_element_type3A_133 : vector<1x5000xbf16> to vector<1x5000xf32>
    %mul3A_135 = vector.broadcast %get3A_95 : f32 to vector<1x5000xf32>
    %mul3A_136 = arith.mulf %convert_element_type3A_130, %mul3A_135 : vector<1x5000xf32>
    %mul3A_137 = vector.broadcast %get3A_98 : f32 to vector<1x5000xf32>
    %mul3A_138 = arith.mulf %convert_element_type3A_132, %mul3A_137 : vector<1x5000xf32>
    %add3A_139 = arith.addf %mul3A_136, %mul3A_138 : vector<1x5000xf32>
    %mul3A_140 = vector.broadcast %get3A_101 : f32 to vector<1x5000xf32>
    %mul3A_141 = arith.mulf %convert_element_type3A_134, %mul3A_140 : vector<1x5000xf32>
    %add3A_142 = arith.addf %add3A_139, %mul3A_141 : vector<1x5000xf32>
    %add3A_143 = vector.broadcast %get3A_122 : f32 to vector<1x5000xf32>
    %add3A_144 = arith.addf %add3A_142, %add3A_143 : vector<1x5000xf32>
    %mul3A_145 = vector.broadcast %get3A_104 : f32 to vector<1x5000xf32>
    %mul3A_146 = arith.mulf %convert_element_type3A_130, %mul3A_145 : vector<1x5000xf32>
    %mul3A_147 = vector.broadcast %get3A_107 : f32 to vector<1x5000xf32>
    %mul3A_148 = arith.mulf %convert_element_type3A_132, %mul3A_147 : vector<1x5000xf32>
    %add3A_149 = arith.addf %mul3A_146, %mul3A_148 : vector<1x5000xf32>
    %mul3A_150 = vector.broadcast %get3A_110 : f32 to vector<1x5000xf32>
    %mul3A_151 = arith.mulf %convert_element_type3A_134, %mul3A_150 : vector<1x5000xf32>
    %add3A_152 = arith.addf %add3A_149, %mul3A_151 : vector<1x5000xf32>
    %add3A_153 = vector.broadcast %get3A_125 : f32 to vector<1x5000xf32>
    %add3A_154 = arith.addf %add3A_152, %add3A_153 : vector<1x5000xf32>
    %mul3A_155 = vector.broadcast %get3A_113 : f32 to vector<1x5000xf32>
    %mul3A_156 = arith.mulf %convert_element_type3A_130, %mul3A_155 : vector<1x5000xf32>
    %mul3A_157 = vector.broadcast %get3A_116 : f32 to vector<1x5000xf32>
    %mul3A_158 = arith.mulf %convert_element_type3A_132, %mul3A_157 : vector<1x5000xf32>
    %add3A_159 = arith.addf %mul3A_156, %mul3A_158 : vector<1x5000xf32>
    %mul3A_160 = vector.broadcast %get3A_119 : f32 to vector<1x5000xf32>
    %mul3A_161 = arith.mulf %convert_element_type3A_134, %mul3A_160 : vector<1x5000xf32>
    %add3A_162 = arith.addf %add3A_159, %mul3A_161 : vector<1x5000xf32>
    %add3A_163 = vector.broadcast %get3A_128 : f32 to vector<1x5000xf32>
    %add3A_164 = arith.addf %add3A_162, %add3A_163 : vector<1x5000xf32>
    %swap3A_165 = arith.constant 0 : index
    %swap3A_166 = arith.constant 0 : index
    %swap3A_167 = vector.load %arg8[%swap3A_165, %swap3A_166] : memref<12x5000xf32, #tpu.memory_space<vmem>>, vector<1x5000xf32>
    tpu.vector_store %arg8[%swap3A_165, %swap3A_166], %add3A_144 {strides = array<i32>} : memref<12x5000xf32, #tpu.memory_space<vmem>>, vector<1x5000xf32>,
    %get3A_168 = arith.constant 3 : index
    %get3A_169 = arith.constant 0 : index
    %get3A_170 = vector.load %arg0[%get3A_168, %get3A_169] : memref<12x5000xf32, #tpu.memory_space<vmem>>, vector<1x5000xf32>
    %swap3A_171 = arith.constant 3 : index
    %swap3A_172 = arith.constant 0 : index
    %swap3A_173 = vector.load %arg8[%swap3A_171, %swap3A_172] : memref<12x5000xf32, #tpu.memory_space<vmem>>, vector<1x5000xf32>
    tpu.vector_store %arg8[%swap3A_171, %swap3A_172], %get3A_170 {strides = array<i32>} : memref<12x5000xf32, #tpu.memory_space<vmem>>, vector<1x5000xf32>,
    %swap3A_174 = arith.constant 1 : index
    %swap3A_175 = arith.constant 0 : index
    %swap3A_176 = vector.load %arg8[%swap3A_174, %swap3A_175] : memref<12x5000xf32, #tpu.memory_space<vmem>>, vector<1x5000xf32>
    tpu.vector_store %arg8[%swap3A_174, %swap3A_175], %add3A_154 {strides = array<i32>} : memref<12x5000xf32, #tpu.memory_space<vmem>>, vector<1x5000xf32>,
    %get3A_177 = arith.constant 4 : index
    %get3A_178 = arith.constant 0 : index
    %get3A_179 = vector.load %arg0[%get3A_177, %get3A_178] : memref<12x5000xf32, #tpu.memory_space<vmem>>, vector<1x5000xf32>
    %swap3A_180 = arith.constant 4 : index
    %swap3A_181 = arith.constant 0 : index
    %swap3A_182 = vector.load %arg8[%swap3A_180, %swap3A_181] : memref<12x5000xf32, #tpu.memory_space<vmem>>, vector<1x5000xf32>
    tpu.vector_store %arg8[%swap3A_180, %swap3A_181], %get3A_179 {strides = array<i32>} : memref<12x5000xf32, #tpu.memory_space<vmem>>, vector<1x5000xf32>,
    %swap3A_183 = arith.constant 2 : index
    %swap3A_184 = arith.constant 0 : index
    %swap3A_185 = vector.load %arg8[%swap3A_183, %swap3A_184] : memref<12x5000xf32, #tpu.memory_space<vmem>>, vector<1x5000xf32>
    tpu.vector_store %arg8[%swap3A_183, %swap3A_184], %add3A_164 {strides = array<i32>} : memref<12x5000xf32, #tpu.memory_space<vmem>>, vector<1x5000xf32>,
    %get3A_186 = arith.constant 5 : index
    %get3A_187 = arith.constant 0 : index
    %get3A_188 = vector.load %arg0[%get3A_186, %get3A_187] : memref<12x5000xf32, #tpu.memory_space<vmem>>, vector<1x5000xf32>
    %swap3A_189 = arith.constant 5 : index
    %swap3A_190 = arith.constant 0 : index
    %swap3A_191 = vector.load %arg8[%swap3A_189, %swap3A_190] : memref<12x5000xf32, #tpu.memory_space<vmem>>, vector<1x5000xf32>
    tpu.vector_store %arg8[%swap3A_189, %swap3A_190], %get3A_188 {strides = array<i32>} : memref<12x5000xf32, #tpu.memory_space<vmem>>, vector<1x5000xf32>,
    %get3A_192 = arith.constant 6 : index
    %get3A_193 = arith.constant 0 : index
    %get3A_194 = vector.load %arg0[%get3A_192, %get3A_193] : memref<12x5000xf32, #tpu.memory_space<vmem>>, vector<1x5000xf32>
    %convert_element_type3A_195 = arith.truncf %get3A_194 : vector<1x5000xf32> to vector<1x5000xbf16>
    %convert_element_type3A_196 = arith.extf %convert_element_type3A_195 : vector<1x5000xbf16> to vector<1x5000xf32>
    %get3A_197 = arith.constant 7 : index
    %get3A_198 = arith.constant 0 : index
    %get3A_199 = vector.load %arg0[%get3A_197, %get3A_198] : memref<12x5000xf32, #tpu.memory_space<vmem>>, vector<1x5000xf32>
    %convert_element_type3A_200 = arith.truncf %get3A_199 : vector<1x5000xf32> to vector<1x5000xbf16>
    %convert_element_type3A_201 = arith.extf %convert_element_type3A_200 : vector<1x5000xbf16> to vector<1x5000xf32>
    %get3A_202 = arith.constant 8 : index
    %get3A_203 = arith.constant 0 : index
    %get3A_204 = vector.load %arg0[%get3A_202, %get3A_203] : memref<12x5000xf32, #tpu.memory_space<vmem>>, vector<1x5000xf32>
    %convert_element_type3A_205 = arith.truncf %get3A_204 : vector<1x5000xf32> to vector<1x5000xbf16>
    %convert_element_type3A_206 = arith.extf %convert_element_type3A_205 : vector<1x5000xbf16> to vector<1x5000xf32>
    %get3A_207 = arith.constant 9 : index
    %get3A_208 = arith.constant 0 : index
    %get3A_209 = vector.load %arg0[%get3A_207, %get3A_208] : memref<12x5000xf32, #tpu.memory_space<vmem>>, vector<1x5000xf32>
    %convert_element_type3A_210 = arith.truncf %get3A_209 : vector<1x5000xf32> to vector<1x5000xbf16>
    %convert_element_type3A_211 = arith.extf %convert_element_type3A_210 : vector<1x5000xbf16> to vector<1x5000xf32>
    %get3A_212 = arith.constant 10 : index
    %get3A_213 = arith.constant 0 : index
    %get3A_214 = vector.load %arg0[%get3A_212, %get3A_213] : memref<12x5000xf32, #tpu.memory_space<vmem>>, vector<1x5000xf32>
    %convert_element_type3A_215 = arith.truncf %get3A_214 : vector<1x5000xf32> to vector<1x5000xbf16>
    %convert_element_type3A_216 = arith.extf %convert_element_type3A_215 : vector<1x5000xbf16> to vector<1x5000xf32>
    %get3A_217 = arith.constant 11 : index
    %get3A_218 = arith.constant 0 : index
    %get3A_219 = vector.load %arg0[%get3A_217, %get3A_218] : memref<12x5000xf32, #tpu.memory_space<vmem>>, vector<1x5000xf32>
    %convert_element_type3A_220 = arith.truncf %get3A_219 : vector<1x5000xf32> to vector<1x5000xbf16>
    %convert_element_type3A_221 = arith.extf %convert_element_type3A_220 : vector<1x5000xbf16> to vector<1x5000xf32>
    %mul3A_222 = vector.broadcast %get3A_95 : f32 to vector<1x5000xf32>
    %mul3A_223 = arith.mulf %convert_element_type3A_196, %mul3A_222 : vector<1x5000xf32>
    %mul3A_224 = vector.broadcast %get3A_98 : f32 to vector<1x5000xf32>
    %mul3A_225 = arith.mulf %convert_element_type3A_201, %mul3A_224 : vector<1x5000xf32>
    %add3A_226 = arith.addf %mul3A_223, %mul3A_225 : vector<1x5000xf32>
    %mul3A_227 = vector.broadcast %get3A_101 : f32 to vector<1x5000xf32>
    %mul3A_228 = arith.mulf %convert_element_type3A_206, %mul3A_227 : vector<1x5000xf32>
    %add3A_229 = arith.addf %add3A_226, %mul3A_228 : vector<1x5000xf32>
    %swap3A_230 = arith.constant 6 : index
    %swap3A_231 = arith.constant 0 : index
    %swap3A_232 = vector.load %arg8[%swap3A_230, %swap3A_231] : memref<12x5000xf32, #tpu.memory_space<vmem>>, vector<1x5000xf32>
    tpu.vector_store %arg8[%swap3A_230, %swap3A_231], %add3A_229 {strides = array<i32>} : memref<12x5000xf32, #tpu.memory_space<vmem>>, vector<1x5000xf32>,
    %mul3A_233 = vector.broadcast %get3A_95 : f32 to vector<1x5000xf32>
    %mul3A_234 = arith.mulf %convert_element_type3A_211, %mul3A_233 : vector<1x5000xf32>
    %mul3A_235 = vector.broadcast %get3A_98 : f32 to vector<1x5000xf32>
    %mul3A_236 = arith.mulf %convert_element_type3A_216, %mul3A_235 : vector<1x5000xf32>
    %add3A_237 = arith.addf %mul3A_234, %mul3A_236 : vector<1x5000xf32>
    %mul3A_238 = vector.broadcast %get3A_101 : f32 to vector<1x5000xf32>
    %mul3A_239 = arith.mulf %convert_element_type3A_221, %mul3A_238 : vector<1x5000xf32>
    %add3A_240 = arith.addf %add3A_237, %mul3A_239 : vector<1x5000xf32>
    %swap3A_241 = arith.constant 9 : index
    %swap3A_242 = arith.constant 0 : index
    %swap3A_243 = vector.load %arg8[%swap3A_241, %swap3A_242] : memref<12x5000xf32, #tpu.memory_space<vmem>>, vector<1x5000xf32>
    tpu.vector_store %arg8[%swap3A_241, %swap3A_242], %add3A_240 {strides = array<i32>} : memref<12x5000xf32, #tpu.memory_space<vmem>>, vector<1x5000xf32>,
    %mul3A_244 = vector.broadcast %get3A_104 : f32 to vector<1x5000xf32>
    %mul3A_245 = arith.mulf %convert_element_type3A_196, %mul3A_244 : vector<1x5000xf32>
    %mul3A_246 = vector.broadcast %get3A_107 : f32 to vector<1x5000xf32>
    %mul3A_247 = arith.mulf %convert_element_type3A_201, %mul3A_246 : vector<1x5000xf32>
    %add3A_248 = arith.addf %mul3A_245, %mul3A_247 : vector<1x5000xf32>
    %mul3A_249 = vector.broadcast %get3A_110 : f32 to vector<1x5000xf32>
    %mul3A_250 = arith.mulf %convert_element_type3A_206, %mul3A_249 : vector<1x5000xf32>
    %add3A_251 = arith.addf %add3A_248, %mul3A_250 : vector<1x5000xf32>
    %swap3A_252 = arith.constant 7 : index
    %swap3A_253 = arith.constant 0 : index
    %swap3A_254 = vector.load %arg8[%swap3A_252, %swap3A_253] : memref<12x5000xf32, #tpu.memory_space<vmem>>, vector<1x5000xf32>
    tpu.vector_store %arg8[%swap3A_252, %swap3A_253], %add3A_251 {strides = array<i32>} : memref<12x5000xf32, #tpu.memory_space<vmem>>, vector<1x5000xf32>,
    %mul3A_255 = vector.broadcast %get3A_104 : f32 to vector<1x5000xf32>
    %mul3A_256 = arith.mulf %convert_element_type3A_211, %mul3A_255 : vector<1x5000xf32>
    %mul3A_257 = vector.broadcast %get3A_107 : f32 to vector<1x5000xf32>
    %mul3A_258 = arith.mulf %convert_element_type3A_216, %mul3A_257 : vector<1x5000xf32>
    %add3A_259 = arith.addf %mul3A_256, %mul3A_258 : vector<1x5000xf32>
    %mul3A_260 = vector.broadcast %get3A_110 : f32 to vector<1x5000xf32>
    %mul3A_261 = arith.mulf %convert_element_type3A_221, %mul3A_260 : vector<1x5000xf32>
    %add3A_262 = arith.addf %add3A_259, %mul3A_261 : vector<1x5000xf32>
    %swap3A_263 = arith.constant 10 : index
    %swap3A_264 = arith.constant 0 : index
    %swap3A_265 = vector.load %arg8[%swap3A_263, %swap3A_264] : memref<12x5000xf32, #tpu.memory_space<vmem>>, vector<1x5000xf32>
    tpu.vector_store %arg8[%swap3A_263, %swap3A_264], %add3A_262 {strides = array<i32>} : memref<12x5000xf32, #tpu.memory_space<vmem>>, vector<1x5000xf32>,
    %mul3A_266 = vector.broadcast %get3A_113 : f32 to vector<1x5000xf32>
    %mul3A_267 = arith.mulf %convert_element_type3A_196, %mul3A_266 : vector<1x5000xf32>
    %mul3A_268 = vector.broadcast %get3A_116 : f32 to vector<1x5000xf32>
    %mul3A_269 = arith.mulf %convert_element_type3A_201, %mul3A_268 : vector<1x5000xf32>
    %add3A_270 = arith.addf %mul3A_267, %mul3A_269 : vector<1x5000xf32>
    %mul3A_271 = vector.broadcast %get3A_119 : f32 to vector<1x5000xf32>
    %mul3A_272 = arith.mulf %convert_element_type3A_206, %mul3A_271 : vector<1x5000xf32>
    %add3A_273 = arith.addf %add3A_270, %mul3A_272 : vector<1x5000xf32>
    %swap3A_274 = arith.constant 8 : index
    %swap3A_275 = arith.constant 0 : index
    %swap3A_276 = vector.load %arg8[%swap3A_274, %swap3A_275] : memref<12x5000xf32, #tpu.memory_space<vmem>>, vector<1x5000xf32>
    tpu.vector_store %arg8[%swap3A_274, %swap3A_275], %add3A_273 {strides = array<i32>} : memref<12x5000xf32, #tpu.memory_space<vmem>>, vector<1x5000xf32>,
    %mul3A_277 = vector.broadcast %get3A_113 : f32 to vector<1x5000xf32>
    %mul3A_278 = arith.mulf %convert_element_type3A_211, %mul3A_277 : vector<1x5000xf32>
    %mul3A_279 = vector.broadcast %get3A_116 : f32 to vector<1x5000xf32>
    %mul3A_280 = arith.mulf %convert_element_type3A_216, %mul3A_279 : vector<1x5000xf32>
    %add3A_281 = arith.addf %mul3A_278, %mul3A_280 : vector<1x5000xf32>
    %mul3A_282 = vector.broadcast %get3A_119 : f32 to vector<1x5000xf32>
    %mul3A_283 = arith.mulf %convert_element_type3A_221, %mul3A_282 : vector<1x5000xf32>
    %add3A_284 = arith.addf %add3A_281, %mul3A_283 : vector<1x5000xf32>
    %swap3A_285 = arith.constant 11 : index
    %swap3A_286 = arith.constant 0 : index
    %swap3A_287 = vector.load %arg8[%swap3A_285, %swap3A_286] : memref<12x5000xf32, #tpu.memory_space<vmem>>, vector<1x5000xf32>
    tpu.vector_store %arg8[%swap3A_285, %swap3A_286], %add3A_284 {strides = array<i32>} : memref<12x5000xf32, #tpu.memory_space<vmem>>, vector<1x5000xf32>,
    %get3A_288 = arith.constant 3 : index
    %get3A_289 = arith.constant 0 : index
    %get3A_290 = vector.load %arg0[%get3A_288, %get3A_289] : memref<12x5000xf32, #tpu.memory_space<vmem>>, vector<1x5000xf32>
    %abs3A = math.absf %get3A_290 : vector<1x5000xf32>
    %add3A_291 = arith.constant 5.000000e-01 : f32
    %add3A_292 = vector.broadcast %add3A_291 : f32 to vector<1x5000xf32>
    %add3A_293 = arith.addf %abs3A, %add3A_292 : vector<1x5000xf32>
    %get3A_294 = arith.constant 5 : index
    %get3A_295 = arith.constant 0 : index
    %get3A_296 = vector.load %arg0[%get3A_294, %get3A_295] : memref<12x5000xf32, #tpu.memory_space<vmem>>, vector<1x5000xf32>
    %abs3A_297 = math.absf %get3A_296 : vector<1x5000xf32>
    %add3A_298 = arith.constant 5.000000e-01 : f32
    %add3A_299 = vector.broadcast %add3A_298 : f32 to vector<1x5000xf32>
    %add3A_300 = arith.addf %abs3A_297, %add3A_299 : vector<1x5000xf32>
    %mul3A_301 = arith.constant 5.000000e-01 : f32
    %mul3A_302 = vector.broadcast %mul3A_301 : f32 to vector<1x5000xf32>
    %mul3A_303 = arith.mulf %add3A_293, %mul3A_302 : vector<1x5000xf32>
    %sub3A = arith.subf %add3A_144, %mul3A_303 : vector<1x5000xf32>
    %swap3A_304 = arith.constant 0 : index
    %swap3A_305 = arith.constant 0 : index
    %swap3A_306 = vector.load %arg6[%swap3A_304, %swap3A_305] : memref<5x5000xf32, #tpu.memory_space<vmem>>, vector<1x5000xf32>
    tpu.vector_store %arg6[%swap3A_304, %swap3A_305], %sub3A {strides = array<i32>} : memref<5x5000xf32, #tpu.memory_space<vmem>>, vector<1x5000xf32>,
    %mul3A_307 = arith.constant 5.000000e-01 : f32
    %mul3A_308 = vector.broadcast %mul3A_307 : f32 to vector<1x5000xf32>
    %mul3A_309 = arith.mulf %add3A_293, %mul3A_308 : vector<1x5000xf32>
    %add3A_310 = arith.addf %add3A_144, %mul3A_309 : vector<1x5000xf32>
    %swap3A_311 = arith.constant 1 : index
    %swap3A_312 = arith.constant 0 : index
    %swap3A_313 = vector.load %arg6[%swap3A_311, %swap3A_312] : memref<5x5000xf32, #tpu.memory_space<vmem>>, vector<1x5000xf32>
    tpu.vector_store %arg6[%swap3A_311, %swap3A_312], %add3A_310 {strides = array<i32>} : memref<5x5000xf32, #tpu.memory_space<vmem>>, vector<1x5000xf32>,
    %mul3A_314 = arith.constant 5.000000e-01 : f32
    %mul3A_315 = vector.broadcast %mul3A_314 : f32 to vector<1x5000xf32>
    %mul3A_316 = arith.mulf %add3A_300, %mul3A_315 : vector<1x5000xf32>
    %sub3A_317 = arith.subf %add3A_164, %mul3A_316 : vector<1x5000xf32>
    %swap3A_318 = arith.constant 2 : index
    %swap3A_319 = arith.constant 0 : index
    %swap3A_320 = vector.load %arg6[%swap3A_318, %swap3A_319] : memref<5x5000xf32, #tpu.memory_space<vmem>>, vector<1x5000xf32>
    tpu.vector_store %arg6[%swap3A_318, %swap3A_319], %sub3A_317 {strides = array<i32>} : memref<5x5000xf32, #tpu.memory_space<vmem>>, vector<1x5000xf32>,
    %mul3A_321 = arith.constant 5.000000e-01 : f32
    %mul3A_322 = vector.broadcast %mul3A_321 : f32 to vector<1x5000xf32>
    %mul3A_323 = arith.mulf %add3A_300, %mul3A_322 : vector<1x5000xf32>
    %add3A_324 = arith.addf %add3A_164, %mul3A_323 : vector<1x5000xf32>
    %swap3A_325 = arith.constant 3 : index
    %swap3A_326 = arith.constant 0 : index
    %swap3A_327 = vector.load %arg6[%swap3A_325, %swap3A_326] : memref<5x5000xf32, #tpu.memory_space<vmem>>, vector<1x5000xf32>
    tpu.vector_store %arg6[%swap3A_325, %swap3A_326], %add3A_324 {strides = array<i32>} : memref<5x5000xf32, #tpu.memory_space<vmem>>, vector<1x5000xf32>,
    %mul3A_328 = arith.mulf %add3A_293, %add3A_300 : vector<1x5000xf32>
    %swap3A_329 = arith.constant 4 : index
    %swap3A_330 = arith.constant 0 : index
    %swap3A_331 = vector.load %arg6[%swap3A_329, %swap3A_330] : memref<5x5000xf32, #tpu.memory_space<vmem>>, vector<1x5000xf32>
    tpu.vector_store %arg6[%swap3A_329, %swap3A_330], %mul3A_328 {strides = array<i32>} : memref<5x5000xf32, #tpu.memory_space<vmem>>, vector<1x5000xf32>,
    return
  }
}

module attributes {stable_mosaic.version = 14 : i64} {
  func.func @_nms_kernel(%arg0: i32, %arg1: memref<50xi32, #tpu.memory_space<smem>>, %arg2: memref<8x6400xf32, #tpu.memory_space<vmem>>, %arg3: memref<6400x8xf32, #tpu.memory_space<vmem>>, %arg4: memref<6400x1xf32, #tpu.memory_space<vmem>>, %arg5: memref<1x6400xf32, #tpu.memory_space<vmem>>) attributes {dimension_semantics = [#tpu.dimension_semantics<arbitrary>], iteration_bounds = array<i64: 50>, scalar_prefetch = 0 : i64, scratch_operands = 1 : i64, tpu.core_type = #tpu.core_type<tc>, window_params = [{transform_indices = @transform_0, window_bounds = array<i64: 50>}, {pipeline_mode = #tpu.pipeline_mode<synchronous>, transform_indices = @transform_1, window_bounds = array<i64: 8, 6400>}, {pipeline_mode = #tpu.pipeline_mode<synchronous>, transform_indices = @transform_2, window_bounds = array<i64: 6400, 8>}, {pipeline_mode = #tpu.pipeline_mode<synchronous>, transform_indices = @transform_3, window_bounds = array<i64: 6400, 1>}]} {
    %eq3A = arith.constant 0 : i32
    %eq3A_0 = arith.cmpi eq, %arg0, %eq3A : i32
    %convert_element_type3A = arith.extui %eq3A_0 : i1 to i32
    %cond3A = arith.constant 0 : i32
    %cond3A_1 = arith.cmpi ne, %convert_element_type3A, %cond3A : i32
    scf.if %cond3A_1 {
      %broadcast_in_dim3A_126 = arith.constant 0.000000e+00 : f32
      %broadcast_in_dim3A_127 = vector.broadcast %broadcast_in_dim3A_126 : f32 to vector<6400x1xf32>
      %swap3A_128 = arith.constant 0 : index
      %swap3A_129 = arith.constant 0 : index
      %swap3A_130 = vector.load %arg4[%swap3A_128, %swap3A_129] : memref<6400x1xf32, #tpu.memory_space<vmem>>, vector<6400x1xf32>
      tpu.vector_store %arg4[%swap3A_128, %swap3A_129], %broadcast_in_dim3A_127 {strides = array<i32>} : memref<6400x1xf32, #tpu.memory_space<vmem>>, vector<6400x1xf32>,
      %broadcast_in_dim3A_131 = arith.constant 0.000000e+00 : f32
      %broadcast_in_dim3A_132 = vector.broadcast %broadcast_in_dim3A_131 : f32 to vector<1x6400xf32>
      %swap3A_133 = arith.constant 0 : index
      %swap3A_134 = arith.constant 0 : index
      %swap3A_135 = vector.load %arg5[%swap3A_133, %swap3A_134] : memref<1x6400xf32, #tpu.memory_space<vmem>>, vector<1x6400xf32>
      tpu.vector_store %arg5[%swap3A_133, %swap3A_134], %broadcast_in_dim3A_132 {strides = array<i32>} : memref<1x6400xf32, #tpu.memory_space<vmem>>, vector<1x6400xf32>,
    } else {
    }
    %mul3A = arith.constant 128 : i32
    %mul3A_2 = arith.muli %arg0, %mul3A : i32
    %get3A = arith.constant 0 : index
    %get3A_3 = arith.index_cast %mul3A_2 : i32 to index
    %get3A_4 = vector.load %arg2[%get3A, %get3A_3] : memref<8x6400xf32, #tpu.memory_space<vmem>>, vector<1x128xf32>
    %get3A_5 = arith.constant 1 : index
    %get3A_6 = arith.index_cast %mul3A_2 : i32 to index
    %get3A_7 = vector.load %arg2[%get3A_5, %get3A_6] : memref<8x6400xf32, #tpu.memory_space<vmem>>, vector<1x128xf32>
    %get3A_8 = arith.constant 2 : index
    %get3A_9 = arith.index_cast %mul3A_2 : i32 to index
    %get3A_10 = vector.load %arg2[%get3A_8, %get3A_9] : memref<8x6400xf32, #tpu.memory_space<vmem>>, vector<1x128xf32>
    %get3A_11 = arith.constant 3 : index
    %get3A_12 = arith.index_cast %mul3A_2 : i32 to index
    %get3A_13 = vector.load %arg2[%get3A_11, %get3A_12] : memref<8x6400xf32, #tpu.memory_space<vmem>>, vector<1x128xf32>
    %get3A_14 = arith.constant 4 : index
    %get3A_15 = arith.index_cast %mul3A_2 : i32 to index
    %get3A_16 = vector.load %arg2[%get3A_14, %get3A_15] : memref<8x6400xf32, #tpu.memory_space<vmem>>, vector<1x128xf32>
    %get3A_17 = arith.constant 5 : index
    %get3A_18 = arith.index_cast %mul3A_2 : i32 to index
    %get3A_19 = vector.load %arg2[%get3A_17, %get3A_18] : memref<8x6400xf32, #tpu.memory_space<vmem>>, vector<1x128xf32>
    %get3A_20 = arith.index_cast %mul3A_2 : i32 to index
    %get3A_21 = arith.constant 0 : index
    %get3A_22 = vector.load %arg3[%get3A_20, %get3A_21] : memref<6400x8xf32, #tpu.memory_space<vmem>>, vector<128x1xf32>
    %get3A_23 = arith.index_cast %mul3A_2 : i32 to index
    %get3A_24 = arith.constant 1 : index
    %get3A_25 = vector.load %arg3[%get3A_23, %get3A_24] : memref<6400x8xf32, #tpu.memory_space<vmem>>, vector<128x1xf32>
    %get3A_26 = arith.index_cast %mul3A_2 : i32 to index
    %get3A_27 = arith.constant 2 : index
    %get3A_28 = vector.load %arg3[%get3A_26, %get3A_27] : memref<6400x8xf32, #tpu.memory_space<vmem>>, vector<128x1xf32>
    %get3A_29 = arith.index_cast %mul3A_2 : i32 to index
    %get3A_30 = arith.constant 3 : index
    %get3A_31 = vector.load %arg3[%get3A_29, %get3A_30] : memref<6400x8xf32, #tpu.memory_space<vmem>>, vector<128x1xf32>
    %get3A_32 = arith.index_cast %mul3A_2 : i32 to index
    %get3A_33 = arith.constant 4 : index
    %get3A_34 = vector.load %arg3[%get3A_32, %get3A_33] : memref<6400x8xf32, #tpu.memory_space<vmem>>, vector<128x1xf32>
    %get3A_35 = arith.index_cast %mul3A_2 : i32 to index
    %get3A_36 = arith.constant 5 : index
    %get3A_37 = vector.load %arg3[%get3A_35, %get3A_36] : memref<6400x8xf32, #tpu.memory_space<vmem>>, vector<128x1xf32>
    %get3A_38 = arith.index_cast %arg0 : i32 to index
    %get3A_39 = memref.load %arg1[%get3A_38] : memref<50xi32, #tpu.memory_space<smem>>
    %broadcast_in_dim3A = arith.constant 0.000000e+00 : f32
    %broadcast_in_dim3A_40 = vector.broadcast %broadcast_in_dim3A : f32 to vector<1x128xf32>
    %broadcast_in_dim3A_41 = arith.constant 0.000000e+00 : f32
    %broadcast_in_dim3A_42 = vector.broadcast %broadcast_in_dim3A_41 : f32 to vector<128x1xf32>
    %while3A = arith.subi %arg0, %get3A_39 : i32
    %while3A_43 = arith.addi %get3A_39, %while3A : i32
    %while3A_44 = arith.constant 1 : i32
    %while3A_45 = arith.divsi %while3A, %while3A_44 : i32
    %while3A_46 = arith.muli %while3A_45, %while3A_44 : i32
    %while3A_47 = arith.addi %get3A_39, %while3A_46 : i32
    %while3A_48 = arith.constant 1 : i32
    %while3A_49:2 = scf.for %while3A_126 = %get3A_39 to %while3A_47 step %while3A_48 iter_args(%while3A_127 = %broadcast_in_dim3A_40, %while3A_128 = %broadcast_in_dim3A_42) -> (vector<1x128xf32>, vector<128x1xf32>)  : i32 {
      %mul3A_129 = arith.constant 128 : i32
      %mul3A_130 = arith.muli %while3A_126, %mul3A_129 : i32
      %get3A_131 = arith.index_cast %mul3A_130 : i32 to index
      %get3A_132 = arith.constant 0 : index
      %get3A_133 = vector.load %arg4[%get3A_131, %get3A_132] : memref<6400x1xf32, #tpu.memory_space<vmem>>, vector<128x1xf32>
      %get3A_134 = arith.constant 0 : index
      %get3A_135 = arith.index_cast %mul3A_130 : i32 to index
      %get3A_136 = vector.load %arg5[%get3A_134, %get3A_135] : memref<1x6400xf32, #tpu.memory_space<vmem>>, vector<1x128xf32>
      %get3A_137 = arith.index_cast %mul3A_130 : i32 to index
      %get3A_138 = arith.constant 0 : index
      %get3A_139 = vector.load %arg3[%get3A_137, %get3A_138] : memref<6400x8xf32, #tpu.memory_space<vmem>>, vector<128x1xf32>
      %get3A_140 = arith.index_cast %mul3A_130 : i32 to index
      %get3A_141 = arith.constant 1 : index
      %get3A_142 = vector.load %arg3[%get3A_140, %get3A_141] : memref<6400x8xf32, #tpu.memory_space<vmem>>, vector<128x1xf32>
      %get3A_143 = arith.index_cast %mul3A_130 : i32 to index
      %get3A_144 = arith.constant 2 : index
      %get3A_145 = vector.load %arg3[%get3A_143, %get3A_144] : memref<6400x8xf32, #tpu.memory_space<vmem>>, vector<128x1xf32>
      %get3A_146 = arith.index_cast %mul3A_130 : i32 to index
      %get3A_147 = arith.constant 3 : index
      %get3A_148 = vector.load %arg3[%get3A_146, %get3A_147] : memref<6400x8xf32, #tpu.memory_space<vmem>>, vector<128x1xf32>
      %get3A_149 = arith.index_cast %mul3A_130 : i32 to index
      %get3A_150 = arith.constant 4 : index
      %get3A_151 = vector.load %arg3[%get3A_149, %get3A_150] : memref<6400x8xf32, #tpu.memory_space<vmem>>, vector<128x1xf32>
      %get3A_152 = arith.index_cast %mul3A_130 : i32 to index
      %get3A_153 = arith.constant 5 : index
      %get3A_154 = vector.load %arg3[%get3A_152, %get3A_153] : memref<6400x8xf32, #tpu.memory_space<vmem>>, vector<128x1xf32>
      %min3A_155 = vector.broadcast %get3A_142 : vector<128x1xf32> to vector<128x128xf32>
      %min3A_156 = vector.broadcast %get3A_7 : vector<1x128xf32> to vector<128x128xf32>
      %min3A_157 = arith.minimumf %min3A_155, %min3A_156 : vector<128x128xf32>
      %max3A_158 = vector.broadcast %get3A_139 : vector<128x1xf32> to vector<128x128xf32>
      %max3A_159 = vector.broadcast %get3A_4 : vector<1x128xf32> to vector<128x128xf32>
      %max3A_160 = arith.maximumf %max3A_158, %max3A_159 : vector<128x128xf32>
      %sub3A_161 = arith.subf %min3A_157, %max3A_160 : vector<128x128xf32>
      %max3A_162 = arith.constant 0.000000e+00 : f32
      %max3A_163 = vector.broadcast %max3A_162 : f32 to vector<128x128xf32>
      %max3A_164 = arith.maximumf %sub3A_161, %max3A_163 : vector<128x128xf32>
      %min3A_165 = vector.broadcast %get3A_148 : vector<128x1xf32> to vector<128x128xf32>
      %min3A_166 = vector.broadcast %get3A_13 : vector<1x128xf32> to vector<128x128xf32>
      %min3A_167 = arith.minimumf %min3A_165, %min3A_166 : vector<128x128xf32>
      %max3A_168 = vector.broadcast %get3A_145 : vector<128x1xf32> to vector<128x128xf32>
      %max3A_169 = vector.broadcast %get3A_10 : vector<1x128xf32> to vector<128x128xf32>
      %max3A_170 = arith.maximumf %max3A_168, %max3A_169 : vector<128x128xf32>
      %sub3A_171 = arith.subf %min3A_167, %max3A_170 : vector<128x128xf32>
      %max3A_172 = arith.constant 0.000000e+00 : f32
      %max3A_173 = vector.broadcast %max3A_172 : f32 to vector<128x128xf32>
      %max3A_174 = arith.maximumf %sub3A_171, %max3A_173 : vector<128x128xf32>
      %mul3A_175 = arith.mulf %max3A_164, %max3A_174 : vector<128x128xf32>
      %add3A_176 = vector.broadcast %get3A_151 : vector<128x1xf32> to vector<128x128xf32>
      %add3A_177 = vector.broadcast %get3A_16 : vector<1x128xf32> to vector<128x128xf32>
      %add3A_178 = arith.addf %add3A_176, %add3A_177 : vector<128x128xf32>
      %sub3A_179 = arith.subf %add3A_178, %mul3A_175 : vector<128x128xf32>
      %max3A_180 = arith.constant 9.99999971E-10 : f32
      %max3A_181 = vector.broadcast %max3A_180 : f32 to vector<128x128xf32>
      %max3A_182 = arith.maximumf %sub3A_179, %max3A_181 : vector<128x128xf32>
      %div3A_183 = arith.divf %mul3A_175, %max3A_182 : vector<128x128xf32>
      %gt3A_184 = arith.constant 3.000000e-01 : f32
      %gt3A_185 = vector.broadcast %gt3A_184 : f32 to vector<128x128xf32>
      %gt3A_186 = arith.cmpf ogt, %div3A_183, %gt3A_185 : vector<128x128xf32>
      %eq3A_187 = vector.broadcast %get3A_154 : vector<128x1xf32> to vector<128x128xf32>
      %eq3A_188 = vector.broadcast %get3A_19 : vector<1x128xf32> to vector<128x128xf32>
      %eq3A_189 = arith.cmpf oeq, %eq3A_187, %eq3A_188 : vector<128x128xf32>
      %and3A_190 = arith.andi %gt3A_186, %eq3A_189 : vector<128x128xi1>
      %convert_element_type3A_191 = arith.extui %and3A_190 : vector<128x128xi1> to vector<128x128xi32>
      %convert_element_type3A_192 = arith.sitofp %convert_element_type3A_191 : vector<128x128xi32> to vector<128x128xf32>
      %mul3A_193 = vector.broadcast %get3A_133 : vector<128x1xf32> to vector<128x128xf32>
      %mul3A_194 = arith.mulf %convert_element_type3A_192, %mul3A_193 : vector<128x128xf32>
      %reduce_max3A_195 = arith.constant dense<0xFF800000> : vector<128xf32>
      %reduce_max3A_196 = vector.multi_reduction <maximumf>, %mul3A_194, %reduce_max3A_195 [0] : vector<128x128xf32> to vector<128xf32>
      %broadcast_in_dim3A_197 = vector.shape_cast %reduce_max3A_196 : vector<128xf32> to vector<1x128xf32>
      %max3A_198 = arith.maximumf %while3A_127, %broadcast_in_dim3A_197 : vector<1x128xf32>
      %get3A_199 = arith.constant 0 : index
      %get3A_200 = arith.index_cast %mul3A_130 : i32 to index
      %get3A_201 = vector.load %arg2[%get3A_199, %get3A_200] : memref<8x6400xf32, #tpu.memory_space<vmem>>, vector<1x128xf32>
      %get3A_202 = arith.constant 1 : index
      %get3A_203 = arith.index_cast %mul3A_130 : i32 to index
      %get3A_204 = vector.load %arg2[%get3A_202, %get3A_203] : memref<8x6400xf32, #tpu.memory_space<vmem>>, vector<1x128xf32>
      %get3A_205 = arith.constant 2 : index
      %get3A_206 = arith.index_cast %mul3A_130 : i32 to index
      %get3A_207 = vector.load %arg2[%get3A_205, %get3A_206] : memref<8x6400xf32, #tpu.memory_space<vmem>>, vector<1x128xf32>
      %get3A_208 = arith.constant 3 : index
      %get3A_209 = arith.index_cast %mul3A_130 : i32 to index
      %get3A_210 = vector.load %arg2[%get3A_208, %get3A_209] : memref<8x6400xf32, #tpu.memory_space<vmem>>, vector<1x128xf32>
      %get3A_211 = arith.constant 4 : index
      %get3A_212 = arith.index_cast %mul3A_130 : i32 to index
      %get3A_213 = vector.load %arg2[%get3A_211, %get3A_212] : memref<8x6400xf32, #tpu.memory_space<vmem>>, vector<1x128xf32>
      %get3A_214 = arith.constant 5 : index
      %get3A_215 = arith.index_cast %mul3A_130 : i32 to index
      %get3A_216 = vector.load %arg2[%get3A_214, %get3A_215] : memref<8x6400xf32, #tpu.memory_space<vmem>>, vector<1x128xf32>
      %min3A_217 = vector.broadcast %get3A_204 : vector<1x128xf32> to vector<128x128xf32>
      %min3A_218 = vector.broadcast %get3A_25 : vector<128x1xf32> to vector<128x128xf32>
      %min3A_219 = arith.minimumf %min3A_217, %min3A_218 : vector<128x128xf32>
      %max3A_220 = vector.broadcast %get3A_201 : vector<1x128xf32> to vector<128x128xf32>
      %max3A_221 = vector.broadcast %get3A_22 : vector<128x1xf32> to vector<128x128xf32>
      %max3A_222 = arith.maximumf %max3A_220, %max3A_221 : vector<128x128xf32>
      %sub3A_223 = arith.subf %min3A_219, %max3A_222 : vector<128x128xf32>
      %max3A_224 = arith.constant 0.000000e+00 : f32
      %max3A_225 = vector.broadcast %max3A_224 : f32 to vector<128x128xf32>
      %max3A_226 = arith.maximumf %sub3A_223, %max3A_225 : vector<128x128xf32>
      %min3A_227 = vector.broadcast %get3A_210 : vector<1x128xf32> to vector<128x128xf32>
      %min3A_228 = vector.broadcast %get3A_31 : vector<128x1xf32> to vector<128x128xf32>
      %min3A_229 = arith.minimumf %min3A_227, %min3A_228 : vector<128x128xf32>
      %max3A_230 = vector.broadcast %get3A_207 : vector<1x128xf32> to vector<128x128xf32>
      %max3A_231 = vector.broadcast %get3A_28 : vector<128x1xf32> to vector<128x128xf32>
      %max3A_232 = arith.maximumf %max3A_230, %max3A_231 : vector<128x128xf32>
      %sub3A_233 = arith.subf %min3A_229, %max3A_232 : vector<128x128xf32>
      %max3A_234 = arith.constant 0.000000e+00 : f32
      %max3A_235 = vector.broadcast %max3A_234 : f32 to vector<128x128xf32>
      %max3A_236 = arith.maximumf %sub3A_233, %max3A_235 : vector<128x128xf32>
      %mul3A_237 = arith.mulf %max3A_226, %max3A_236 : vector<128x128xf32>
      %add3A_238 = vector.broadcast %get3A_213 : vector<1x128xf32> to vector<128x128xf32>
      %add3A_239 = vector.broadcast %get3A_34 : vector<128x1xf32> to vector<128x128xf32>
      %add3A_240 = arith.addf %add3A_238, %add3A_239 : vector<128x128xf32>
      %sub3A_241 = arith.subf %add3A_240, %mul3A_237 : vector<128x128xf32>
      %max3A_242 = arith.constant 9.99999971E-10 : f32
      %max3A_243 = vector.broadcast %max3A_242 : f32 to vector<128x128xf32>
      %max3A_244 = arith.maximumf %sub3A_241, %max3A_243 : vector<128x128xf32>
      %div3A_245 = arith.divf %mul3A_237, %max3A_244 : vector<128x128xf32>
      %gt3A_246 = arith.constant 3.000000e-01 : f32
      %gt3A_247 = vector.broadcast %gt3A_246 : f32 to vector<128x128xf32>
      %gt3A_248 = arith.cmpf ogt, %div3A_245, %gt3A_247 : vector<128x128xf32>
      %eq3A_249 = vector.broadcast %get3A_216 : vector<1x128xf32> to vector<128x128xf32>
      %eq3A_250 = vector.broadcast %get3A_37 : vector<128x1xf32> to vector<128x128xf32>
      %eq3A_251 = arith.cmpf oeq, %eq3A_249, %eq3A_250 : vector<128x128xf32>
      %and3A_252 = arith.andi %gt3A_248, %eq3A_251 : vector<128x128xi1>
      %convert_element_type3A_253 = arith.extui %and3A_252 : vector<128x128xi1> to vector<128x128xi32>
      %convert_element_type3A_254 = arith.sitofp %convert_element_type3A_253 : vector<128x128xi32> to vector<128x128xf32>
      %mul3A_255 = vector.broadcast %get3A_136 : vector<1x128xf32> to vector<128x128xf32>
      %mul3A_256 = arith.mulf %convert_element_type3A_254, %mul3A_255 : vector<128x128xf32>
      %reduce_max3A_257 = arith.constant dense<0xFF800000> : vector<128xf32>
      %reduce_max3A_258 = vector.multi_reduction <maximumf>, %mul3A_256, %reduce_max3A_257 [1] : vector<128x128xf32> to vector<128xf32>
      %broadcast_in_dim3A_259 = vector.shape_cast %reduce_max3A_258 : vector<128xf32> to vector<128x1xf32>
      %max3A_260 = arith.maximumf %while3A_128, %broadcast_in_dim3A_259 : vector<128x1xf32>
      scf.yield %max3A_198, %max3A_260 : vector<1x128xf32>, vector<128x1xf32>
    }
    %while3A_50 = arith.constant 1 : i32
    %while3A_51:2 = scf.for %while3A_126 = %while3A_47 to %while3A_43 step %while3A_50 iter_args(%while3A_127 = %while3A_49#0, %while3A_128 = %while3A_49#1) -> (vector<1x128xf32>, vector<128x1xf32>)  : i32 {
      %mul3A_129 = arith.constant 128 : i32
      %mul3A_130 = arith.muli %while3A_126, %mul3A_129 : i32
      %get3A_131 = arith.index_cast %mul3A_130 : i32 to index
      %get3A_132 = arith.constant 0 : index
      %get3A_133 = vector.load %arg4[%get3A_131, %get3A_132] : memref<6400x1xf32, #tpu.memory_space<vmem>>, vector<128x1xf32>
      %get3A_134 = arith.constant 0 : index
      %get3A_135 = arith.index_cast %mul3A_130 : i32 to index
      %get3A_136 = vector.load %arg5[%get3A_134, %get3A_135] : memref<1x6400xf32, #tpu.memory_space<vmem>>, vector<1x128xf32>
      %get3A_137 = arith.index_cast %mul3A_130 : i32 to index
      %get3A_138 = arith.constant 0 : index
      %get3A_139 = vector.load %arg3[%get3A_137, %get3A_138] : memref<6400x8xf32, #tpu.memory_space<vmem>>, vector<128x1xf32>
      %get3A_140 = arith.index_cast %mul3A_130 : i32 to index
      %get3A_141 = arith.constant 1 : index
      %get3A_142 = vector.load %arg3[%get3A_140, %get3A_141] : memref<6400x8xf32, #tpu.memory_space<vmem>>, vector<128x1xf32>
      %get3A_143 = arith.index_cast %mul3A_130 : i32 to index
      %get3A_144 = arith.constant 2 : index
      %get3A_145 = vector.load %arg3[%get3A_143, %get3A_144] : memref<6400x8xf32, #tpu.memory_space<vmem>>, vector<128x1xf32>
      %get3A_146 = arith.index_cast %mul3A_130 : i32 to index
      %get3A_147 = arith.constant 3 : index
      %get3A_148 = vector.load %arg3[%get3A_146, %get3A_147] : memref<6400x8xf32, #tpu.memory_space<vmem>>, vector<128x1xf32>
      %get3A_149 = arith.index_cast %mul3A_130 : i32 to index
      %get3A_150 = arith.constant 4 : index
      %get3A_151 = vector.load %arg3[%get3A_149, %get3A_150] : memref<6400x8xf32, #tpu.memory_space<vmem>>, vector<128x1xf32>
      %get3A_152 = arith.index_cast %mul3A_130 : i32 to index
      %get3A_153 = arith.constant 5 : index
      %get3A_154 = vector.load %arg3[%get3A_152, %get3A_153] : memref<6400x8xf32, #tpu.memory_space<vmem>>, vector<128x1xf32>
      %min3A_155 = vector.broadcast %get3A_142 : vector<128x1xf32> to vector<128x128xf32>
      %min3A_156 = vector.broadcast %get3A_7 : vector<1x128xf32> to vector<128x128xf32>
      %min3A_157 = arith.minimumf %min3A_155, %min3A_156 : vector<128x128xf32>
      %max3A_158 = vector.broadcast %get3A_139 : vector<128x1xf32> to vector<128x128xf32>
      %max3A_159 = vector.broadcast %get3A_4 : vector<1x128xf32> to vector<128x128xf32>
      %max3A_160 = arith.maximumf %max3A_158, %max3A_159 : vector<128x128xf32>
      %sub3A_161 = arith.subf %min3A_157, %max3A_160 : vector<128x128xf32>
      %max3A_162 = arith.constant 0.000000e+00 : f32
      %max3A_163 = vector.broadcast %max3A_162 : f32 to vector<128x128xf32>
      %max3A_164 = arith.maximumf %sub3A_161, %max3A_163 : vector<128x128xf32>
      %min3A_165 = vector.broadcast %get3A_148 : vector<128x1xf32> to vector<128x128xf32>
      %min3A_166 = vector.broadcast %get3A_13 : vector<1x128xf32> to vector<128x128xf32>
      %min3A_167 = arith.minimumf %min3A_165, %min3A_166 : vector<128x128xf32>
      %max3A_168 = vector.broadcast %get3A_145 : vector<128x1xf32> to vector<128x128xf32>
      %max3A_169 = vector.broadcast %get3A_10 : vector<1x128xf32> to vector<128x128xf32>
      %max3A_170 = arith.maximumf %max3A_168, %max3A_169 : vector<128x128xf32>
      %sub3A_171 = arith.subf %min3A_167, %max3A_170 : vector<128x128xf32>
      %max3A_172 = arith.constant 0.000000e+00 : f32
      %max3A_173 = vector.broadcast %max3A_172 : f32 to vector<128x128xf32>
      %max3A_174 = arith.maximumf %sub3A_171, %max3A_173 : vector<128x128xf32>
      %mul3A_175 = arith.mulf %max3A_164, %max3A_174 : vector<128x128xf32>
      %add3A_176 = vector.broadcast %get3A_151 : vector<128x1xf32> to vector<128x128xf32>
      %add3A_177 = vector.broadcast %get3A_16 : vector<1x128xf32> to vector<128x128xf32>
      %add3A_178 = arith.addf %add3A_176, %add3A_177 : vector<128x128xf32>
      %sub3A_179 = arith.subf %add3A_178, %mul3A_175 : vector<128x128xf32>
      %max3A_180 = arith.constant 9.99999971E-10 : f32
      %max3A_181 = vector.broadcast %max3A_180 : f32 to vector<128x128xf32>
      %max3A_182 = arith.maximumf %sub3A_179, %max3A_181 : vector<128x128xf32>
      %div3A_183 = arith.divf %mul3A_175, %max3A_182 : vector<128x128xf32>
      %gt3A_184 = arith.constant 3.000000e-01 : f32
      %gt3A_185 = vector.broadcast %gt3A_184 : f32 to vector<128x128xf32>
      %gt3A_186 = arith.cmpf ogt, %div3A_183, %gt3A_185 : vector<128x128xf32>
      %eq3A_187 = vector.broadcast %get3A_154 : vector<128x1xf32> to vector<128x128xf32>
      %eq3A_188 = vector.broadcast %get3A_19 : vector<1x128xf32> to vector<128x128xf32>
      %eq3A_189 = arith.cmpf oeq, %eq3A_187, %eq3A_188 : vector<128x128xf32>
      %and3A_190 = arith.andi %gt3A_186, %eq3A_189 : vector<128x128xi1>
      %convert_element_type3A_191 = arith.extui %and3A_190 : vector<128x128xi1> to vector<128x128xi32>
      %convert_element_type3A_192 = arith.sitofp %convert_element_type3A_191 : vector<128x128xi32> to vector<128x128xf32>
      %mul3A_193 = vector.broadcast %get3A_133 : vector<128x1xf32> to vector<128x128xf32>
      %mul3A_194 = arith.mulf %convert_element_type3A_192, %mul3A_193 : vector<128x128xf32>
      %reduce_max3A_195 = arith.constant dense<0xFF800000> : vector<128xf32>
      %reduce_max3A_196 = vector.multi_reduction <maximumf>, %mul3A_194, %reduce_max3A_195 [0] : vector<128x128xf32> to vector<128xf32>
      %broadcast_in_dim3A_197 = vector.shape_cast %reduce_max3A_196 : vector<128xf32> to vector<1x128xf32>
      %max3A_198 = arith.maximumf %while3A_127, %broadcast_in_dim3A_197 : vector<1x128xf32>
      %get3A_199 = arith.constant 0 : index
      %get3A_200 = arith.index_cast %mul3A_130 : i32 to index
      %get3A_201 = vector.load %arg2[%get3A_199, %get3A_200] : memref<8x6400xf32, #tpu.memory_space<vmem>>, vector<1x128xf32>
      %get3A_202 = arith.constant 1 : index
      %get3A_203 = arith.index_cast %mul3A_130 : i32 to index
      %get3A_204 = vector.load %arg2[%get3A_202, %get3A_203] : memref<8x6400xf32, #tpu.memory_space<vmem>>, vector<1x128xf32>
      %get3A_205 = arith.constant 2 : index
      %get3A_206 = arith.index_cast %mul3A_130 : i32 to index
      %get3A_207 = vector.load %arg2[%get3A_205, %get3A_206] : memref<8x6400xf32, #tpu.memory_space<vmem>>, vector<1x128xf32>
      %get3A_208 = arith.constant 3 : index
      %get3A_209 = arith.index_cast %mul3A_130 : i32 to index
      %get3A_210 = vector.load %arg2[%get3A_208, %get3A_209] : memref<8x6400xf32, #tpu.memory_space<vmem>>, vector<1x128xf32>
      %get3A_211 = arith.constant 4 : index
      %get3A_212 = arith.index_cast %mul3A_130 : i32 to index
      %get3A_213 = vector.load %arg2[%get3A_211, %get3A_212] : memref<8x6400xf32, #tpu.memory_space<vmem>>, vector<1x128xf32>
      %get3A_214 = arith.constant 5 : index
      %get3A_215 = arith.index_cast %mul3A_130 : i32 to index
      %get3A_216 = vector.load %arg2[%get3A_214, %get3A_215] : memref<8x6400xf32, #tpu.memory_space<vmem>>, vector<1x128xf32>
      %min3A_217 = vector.broadcast %get3A_204 : vector<1x128xf32> to vector<128x128xf32>
      %min3A_218 = vector.broadcast %get3A_25 : vector<128x1xf32> to vector<128x128xf32>
      %min3A_219 = arith.minimumf %min3A_217, %min3A_218 : vector<128x128xf32>
      %max3A_220 = vector.broadcast %get3A_201 : vector<1x128xf32> to vector<128x128xf32>
      %max3A_221 = vector.broadcast %get3A_22 : vector<128x1xf32> to vector<128x128xf32>
      %max3A_222 = arith.maximumf %max3A_220, %max3A_221 : vector<128x128xf32>
      %sub3A_223 = arith.subf %min3A_219, %max3A_222 : vector<128x128xf32>
      %max3A_224 = arith.constant 0.000000e+00 : f32
      %max3A_225 = vector.broadcast %max3A_224 : f32 to vector<128x128xf32>
      %max3A_226 = arith.maximumf %sub3A_223, %max3A_225 : vector<128x128xf32>
      %min3A_227 = vector.broadcast %get3A_210 : vector<1x128xf32> to vector<128x128xf32>
      %min3A_228 = vector.broadcast %get3A_31 : vector<128x1xf32> to vector<128x128xf32>
      %min3A_229 = arith.minimumf %min3A_227, %min3A_228 : vector<128x128xf32>
      %max3A_230 = vector.broadcast %get3A_207 : vector<1x128xf32> to vector<128x128xf32>
      %max3A_231 = vector.broadcast %get3A_28 : vector<128x1xf32> to vector<128x128xf32>
      %max3A_232 = arith.maximumf %max3A_230, %max3A_231 : vector<128x128xf32>
      %sub3A_233 = arith.subf %min3A_229, %max3A_232 : vector<128x128xf32>
      %max3A_234 = arith.constant 0.000000e+00 : f32
      %max3A_235 = vector.broadcast %max3A_234 : f32 to vector<128x128xf32>
      %max3A_236 = arith.maximumf %sub3A_233, %max3A_235 : vector<128x128xf32>
      %mul3A_237 = arith.mulf %max3A_226, %max3A_236 : vector<128x128xf32>
      %add3A_238 = vector.broadcast %get3A_213 : vector<1x128xf32> to vector<128x128xf32>
      %add3A_239 = vector.broadcast %get3A_34 : vector<128x1xf32> to vector<128x128xf32>
      %add3A_240 = arith.addf %add3A_238, %add3A_239 : vector<128x128xf32>
      %sub3A_241 = arith.subf %add3A_240, %mul3A_237 : vector<128x128xf32>
      %max3A_242 = arith.constant 9.99999971E-10 : f32
      %max3A_243 = vector.broadcast %max3A_242 : f32 to vector<128x128xf32>
      %max3A_244 = arith.maximumf %sub3A_241, %max3A_243 : vector<128x128xf32>
      %div3A_245 = arith.divf %mul3A_237, %max3A_244 : vector<128x128xf32>
      %gt3A_246 = arith.constant 3.000000e-01 : f32
      %gt3A_247 = vector.broadcast %gt3A_246 : f32 to vector<128x128xf32>
      %gt3A_248 = arith.cmpf ogt, %div3A_245, %gt3A_247 : vector<128x128xf32>
      %eq3A_249 = vector.broadcast %get3A_216 : vector<1x128xf32> to vector<128x128xf32>
      %eq3A_250 = vector.broadcast %get3A_37 : vector<128x1xf32> to vector<128x128xf32>
      %eq3A_251 = arith.cmpf oeq, %eq3A_249, %eq3A_250 : vector<128x128xf32>
      %and3A_252 = arith.andi %gt3A_248, %eq3A_251 : vector<128x128xi1>
      %convert_element_type3A_253 = arith.extui %and3A_252 : vector<128x128xi1> to vector<128x128xi32>
      %convert_element_type3A_254 = arith.sitofp %convert_element_type3A_253 : vector<128x128xi32> to vector<128x128xf32>
      %mul3A_255 = vector.broadcast %get3A_136 : vector<1x128xf32> to vector<128x128xf32>
      %mul3A_256 = arith.mulf %convert_element_type3A_254, %mul3A_255 : vector<128x128xf32>
      %reduce_max3A_257 = arith.constant dense<0xFF800000> : vector<128xf32>
      %reduce_max3A_258 = vector.multi_reduction <maximumf>, %mul3A_256, %reduce_max3A_257 [1] : vector<128x128xf32> to vector<128xf32>
      %broadcast_in_dim3A_259 = vector.shape_cast %reduce_max3A_258 : vector<128xf32> to vector<128x1xf32>
      %max3A_260 = arith.maximumf %while3A_128, %broadcast_in_dim3A_259 : vector<128x1xf32>
      scf.yield %max3A_198, %max3A_260 : vector<1x128xf32>, vector<128x1xf32>
    }
    %iota3A = tpu.iota {dimensions = array<i32: 0>} : vector<128x128xi32>
    %iota3A_52 = tpu.iota {dimensions = array<i32: 1>} : vector<128x128xi32>
    %get3A_53 = arith.index_cast %mul3A_2 : i32 to index
    %get3A_54 = arith.constant 0 : index
    %get3A_55 = vector.load %arg3[%get3A_53, %get3A_54] : memref<6400x8xf32, #tpu.memory_space<vmem>>, vector<128x1xf32>
    %get3A_56 = arith.index_cast %mul3A_2 : i32 to index
    %get3A_57 = arith.constant 1 : index
    %get3A_58 = vector.load %arg3[%get3A_56, %get3A_57] : memref<6400x8xf32, #tpu.memory_space<vmem>>, vector<128x1xf32>
    %get3A_59 = arith.index_cast %mul3A_2 : i32 to index
    %get3A_60 = arith.constant 2 : index
    %get3A_61 = vector.load %arg3[%get3A_59, %get3A_60] : memref<6400x8xf32, #tpu.memory_space<vmem>>, vector<128x1xf32>
    %get3A_62 = arith.index_cast %mul3A_2 : i32 to index
    %get3A_63 = arith.constant 3 : index
    %get3A_64 = vector.load %arg3[%get3A_62, %get3A_63] : memref<6400x8xf32, #tpu.memory_space<vmem>>, vector<128x1xf32>
    %get3A_65 = arith.index_cast %mul3A_2 : i32 to index
    %get3A_66 = arith.constant 4 : index
    %get3A_67 = vector.load %arg3[%get3A_65, %get3A_66] : memref<6400x8xf32, #tpu.memory_space<vmem>>, vector<128x1xf32>
    %get3A_68 = arith.index_cast %mul3A_2 : i32 to index
    %get3A_69 = arith.constant 5 : index
    %get3A_70 = vector.load %arg3[%get3A_68, %get3A_69] : memref<6400x8xf32, #tpu.memory_space<vmem>>, vector<128x1xf32>
    %min3A = vector.broadcast %get3A_58 : vector<128x1xf32> to vector<128x128xf32>
    %min3A_71 = vector.broadcast %get3A_7 : vector<1x128xf32> to vector<128x128xf32>
    %min3A_72 = arith.minimumf %min3A, %min3A_71 : vector<128x128xf32>
    %max3A = vector.broadcast %get3A_55 : vector<128x1xf32> to vector<128x128xf32>
    %max3A_73 = vector.broadcast %get3A_4 : vector<1x128xf32> to vector<128x128xf32>
    %max3A_74 = arith.maximumf %max3A, %max3A_73 : vector<128x128xf32>
    %sub3A = arith.subf %min3A_72, %max3A_74 : vector<128x128xf32>
    %max3A_75 = arith.constant 0.000000e+00 : f32
    %max3A_76 = vector.broadcast %max3A_75 : f32 to vector<128x128xf32>
    %max3A_77 = arith.maximumf %sub3A, %max3A_76 : vector<128x128xf32>
    %min3A_78 = vector.broadcast %get3A_64 : vector<128x1xf32> to vector<128x128xf32>
    %min3A_79 = vector.broadcast %get3A_13 : vector<1x128xf32> to vector<128x128xf32>
    %min3A_80 = arith.minimumf %min3A_78, %min3A_79 : vector<128x128xf32>
    %max3A_81 = vector.broadcast %get3A_61 : vector<128x1xf32> to vector<128x128xf32>
    %max3A_82 = vector.broadcast %get3A_10 : vector<1x128xf32> to vector<128x128xf32>
    %max3A_83 = arith.maximumf %max3A_81, %max3A_82 : vector<128x128xf32>
    %sub3A_84 = arith.subf %min3A_80, %max3A_83 : vector<128x128xf32>
    %max3A_85 = arith.constant 0.000000e+00 : f32
    %max3A_86 = vector.broadcast %max3A_85 : f32 to vector<128x128xf32>
    %max3A_87 = arith.maximumf %sub3A_84, %max3A_86 : vector<128x128xf32>
    %mul3A_88 = arith.mulf %max3A_77, %max3A_87 : vector<128x128xf32>
    %add3A = vector.broadcast %get3A_67 : vector<128x1xf32> to vector<128x128xf32>
    %add3A_89 = vector.broadcast %get3A_16 : vector<1x128xf32> to vector<128x128xf32>
    %add3A_90 = arith.addf %add3A, %add3A_89 : vector<128x128xf32>
    %sub3A_91 = arith.subf %add3A_90, %mul3A_88 : vector<128x128xf32>
    %max3A_92 = arith.constant 9.99999971E-10 : f32
    %max3A_93 = vector.broadcast %max3A_92 : f32 to vector<128x128xf32>
    %max3A_94 = arith.maximumf %sub3A_91, %max3A_93 : vector<128x128xf32>
    %div3A = arith.divf %mul3A_88, %max3A_94 : vector<128x128xf32>
    %gt3A = arith.constant 3.000000e-01 : f32
    %gt3A_95 = vector.broadcast %gt3A : f32 to vector<128x128xf32>
    %gt3A_96 = arith.cmpf ogt, %div3A, %gt3A_95 : vector<128x128xf32>
    %eq3A_97 = vector.broadcast %get3A_70 : vector<128x1xf32> to vector<128x128xf32>
    %eq3A_98 = vector.broadcast %get3A_19 : vector<1x128xf32> to vector<128x128xf32>
    %eq3A_99 = arith.cmpf oeq, %eq3A_97, %eq3A_98 : vector<128x128xf32>
    %and3A = arith.andi %gt3A_96, %eq3A_99 : vector<128x128xi1>
    %convert_element_type3A_100 = arith.extui %and3A : vector<128x128xi1> to vector<128x128xi32>
    %convert_element_type3A_101 = arith.sitofp %convert_element_type3A_100 : vector<128x128xi32> to vector<128x128xf32>
    %lt3A = arith.cmpi slt, %iota3A, %iota3A_52 : vector<128x128xi32>
    %convert_element_type3A_102 = arith.extui %lt3A : vector<128x128xi1> to vector<128x128xi32>
    %convert_element_type3A_103 = arith.sitofp %convert_element_type3A_102 : vector<128x128xi32> to vector<128x128xf32>
    %mul3A_104 = arith.mulf %convert_element_type3A_101, %convert_element_type3A_103 : vector<128x128xf32>
    %lt3A_105 = arith.cmpi slt, %iota3A_52, %iota3A : vector<128x128xi32>
    %convert_element_type3A_106 = arith.extui %lt3A_105 : vector<128x128xi1> to vector<128x128xi32>
    %convert_element_type3A_107 = arith.sitofp %convert_element_type3A_106 : vector<128x128xi32> to vector<128x128xf32>
    %mul3A_108 = arith.mulf %convert_element_type3A_101, %convert_element_type3A_107 : vector<128x128xf32>
    %broadcast_in_dim3A_109 = arith.constant 1.000000e+00 : f32
    %broadcast_in_dim3A_110 = vector.broadcast %broadcast_in_dim3A_109 : f32 to vector<128x1xf32>
    %while3A_111 = arith.constant 1.000000e+00 : f32
    %while3A_112:2 = scf.while (%while3A_126 = %broadcast_in_dim3A_110, %while3A_127 = %while3A_111) : (vector<128x1xf32>, f32) -> (vector<128x1xf32>, f32) {
      %gt3A_128 = arith.constant 0.000000e+00 : f32
      %gt3A_129 = arith.cmpf ogt, %while3A_127, %gt3A_128 : f32
      scf.condition(%gt3A_129) %while3A_126, %while3A_127 : vector<128x1xf32>, f32
    } do {
    ^bb0(%while3A_126: vector<128x1xf32>, %while3A_127: f32):
      %mul3A_128 = vector.broadcast %while3A_126 : vector<128x1xf32> to vector<128x128xf32>
      %mul3A_129 = arith.mulf %mul3A_104, %mul3A_128 : vector<128x128xf32>
      %reduce_max3A_130 = arith.constant dense<0xFF800000> : vector<128xf32>
      %reduce_max3A_131 = vector.multi_reduction <maximumf>, %mul3A_129, %reduce_max3A_130 [0] : vector<128x128xf32> to vector<128xf32>
      %broadcast_in_dim3A_132 = vector.shape_cast %reduce_max3A_131 : vector<128xf32> to vector<1x128xf32>
      %max3A_133 = arith.maximumf %while3A_51#0, %broadcast_in_dim3A_132 : vector<1x128xf32>
      %sub3A_134 = arith.constant 1.000000e+00 : f32
      %sub3A_135 = vector.broadcast %sub3A_134 : f32 to vector<1x128xf32>
      %sub3A_136 = arith.subf %sub3A_135, %max3A_133 : vector<1x128xf32>
      %mul3A_137 = vector.broadcast %sub3A_136 : vector<1x128xf32> to vector<128x128xf32>
      %mul3A_138 = arith.mulf %mul3A_108, %mul3A_137 : vector<128x128xf32>
      %reduce_max3A_139 = arith.constant dense<0xFF800000> : vector<128xf32>
      %reduce_max3A_140 = vector.multi_reduction <maximumf>, %mul3A_138, %reduce_max3A_139 [1] : vector<128x128xf32> to vector<128xf32>
      %broadcast_in_dim3A_141 = vector.shape_cast %reduce_max3A_140 : vector<128xf32> to vector<128x1xf32>
      %max3A_142 = arith.maximumf %while3A_51#1, %broadcast_in_dim3A_141 : vector<128x1xf32>
      %sub3A_143 = arith.constant 1.000000e+00 : f32
      %sub3A_144 = vector.broadcast %sub3A_143 : f32 to vector<128x1xf32>
      %sub3A_145 = arith.subf %sub3A_144, %max3A_142 : vector<128x1xf32>
      %sub3A_146 = arith.subf %sub3A_145, %while3A_126 : vector<128x1xf32>
      %abs3A = math.absf %sub3A_146 : vector<128x1xf32>
      %reduce_max3A_147 = vector.shape_cast %abs3A : vector<128x1xf32> to vector<1x128x1xf32>
      %reduce_max3A_148 = arith.constant dense<0xFF800000> : vector<1xf32>
      %reduce_max3A_149 = vector.multi_reduction <maximumf>, %reduce_max3A_147, %reduce_max3A_148 [1, 2] : vector<1x128x1xf32> to vector<1xf32>
      %reduce_max3A_150 = vector.shape_cast %reduce_max3A_149 : vector<1xf32> to vector<1x1x1xf32>
      %reduce_max3A_151 = vector.extract %reduce_max3A_150[0, 0, 0] : f32 from vector<1x1x1xf32>
      scf.yield %sub3A_145, %reduce_max3A_151 : vector<128x1xf32>, f32
    }
    %swap3A = arith.index_cast %mul3A_2 : i32 to index
    %swap3A_113 = arith.constant 0 : index
    %swap3A_114 = vector.load %arg4[%swap3A, %swap3A_113] : memref<6400x1xf32, #tpu.memory_space<vmem>>, vector<128x1xf32>
    tpu.vector_store %arg4[%swap3A, %swap3A_113], %while3A_112#0 {strides = array<i32>} : memref<6400x1xf32, #tpu.memory_space<vmem>>, vector<128x1xf32>,
    %mul3A_115 = vector.broadcast %while3A_112#0 : vector<128x1xf32> to vector<128x128xf32>
    %mul3A_116 = arith.mulf %mul3A_104, %mul3A_115 : vector<128x128xf32>
    %reduce_max3A = arith.constant dense<0xFF800000> : vector<128xf32>
    %reduce_max3A_117 = vector.multi_reduction <maximumf>, %mul3A_116, %reduce_max3A [0] : vector<128x128xf32> to vector<128xf32>
    %broadcast_in_dim3A_118 = vector.shape_cast %reduce_max3A_117 : vector<128xf32> to vector<1x128xf32>
    %max3A_119 = arith.maximumf %while3A_51#0, %broadcast_in_dim3A_118 : vector<1x128xf32>
    %sub3A_120 = arith.constant 1.000000e+00 : f32
    %sub3A_121 = vector.broadcast %sub3A_120 : f32 to vector<1x128xf32>
    %sub3A_122 = arith.subf %sub3A_121, %max3A_119 : vector<1x128xf32>
    %swap3A_123 = arith.constant 0 : index
    %swap3A_124 = arith.index_cast %mul3A_2 : i32 to index
    %swap3A_125 = vector.load %arg5[%swap3A_123, %swap3A_124] : memref<1x6400xf32, #tpu.memory_space<vmem>>, vector<1x128xf32>
    tpu.vector_store %arg5[%swap3A_123, %swap3A_124], %sub3A_122 {strides = array<i32>} : memref<1x6400xf32, #tpu.memory_space<vmem>>, vector<1x128xf32>,
    return
  }
  func.func @transform_0(%arg0: i32) -> i32 {
    %c0_i32 = arith.constant 0 : i32
    %c0_i32_0 = arith.constant 0 : i32
    return %c0_i32 : i32
  }
  func.func @transform_1(%arg0: i32) -> (i32, i32) {
    %c0_i32 = arith.constant 0 : i32
    %c0_i32_0 = arith.constant 0 : i32
    %c0_i32_1 = arith.constant 0 : i32
    return %c0_i32, %c0_i32_0 : i32, i32
  }
  func.func @transform_2(%arg0: i32) -> (i32, i32) {
    %c0_i32 = arith.constant 0 : i32
    %c0_i32_0 = arith.constant 0 : i32
    %c0_i32_1 = arith.constant 0 : i32
    return %c0_i32, %c0_i32_0 : i32, i32
  }
  func.func @transform_3(%arg0: i32) -> (i32, i32) {
    %c0_i32 = arith.constant 0 : i32
    %c0_i32_0 = arith.constant 0 : i32
    %c0_i32_1 = arith.constant 0 : i32
    return %c0_i32, %c0_i32_0 : i32, i32
  }
}

module attributes {stable_mosaic.version = 14 : i64} {
  func.func @_out_kernel(%arg0: memref<5000x4xf32, #tpu.memory_space<vmem>>, %arg1: memref<5000x12xf32, #tpu.memory_space<vmem>>, %arg2: memref<5000x1xf32, #tpu.memory_space<vmem>>, %arg3: memref<5000x256xf32, #tpu.memory_space<vmem>>, %arg4: memref<5000x1xf32, #tpu.memory_space<vmem>>, %arg5: memref<5000x273xf32, #tpu.memory_space<vmem>>) attributes {dimension_semantics = [], scalar_prefetch = 0 : i64, scratch_operands = 0 : i64, tpu.core_type = #tpu.core_type<tc>} {
    %get3A = arith.constant 0 : index
    %get3A_0 = arith.constant 0 : index
    %get3A_1 = vector.load %arg4[%get3A, %get3A_0] : memref<5000x1xf32, #tpu.memory_space<vmem>>, vector<5000x1xf32>
    %get3A_2 = arith.constant 0 : index
    %get3A_3 = arith.constant 0 : index
    %get3A_4 = vector.load %arg0[%get3A_2, %get3A_3] : memref<5000x4xf32, #tpu.memory_space<vmem>>, vector<5000x4xf32>
    %mul3A = vector.broadcast %get3A_1 : vector<5000x1xf32> to vector<5000x4xf32>
    %mul3A_5 = arith.mulf %get3A_4, %mul3A : vector<5000x4xf32>
    %swap3A = arith.constant 0 : index
    %swap3A_6 = arith.constant 0 : index
    %swap3A_7 = vector.load %arg5[%swap3A, %swap3A_6] : memref<5000x273xf32, #tpu.memory_space<vmem>>, vector<5000x4xf32>
    tpu.vector_store %arg5[%swap3A, %swap3A_6], %mul3A_5 {strides = array<i32>} : memref<5000x273xf32, #tpu.memory_space<vmem>>, vector<5000x4xf32>,
    %get3A_8 = arith.constant 0 : index
    %get3A_9 = arith.constant 0 : index
    %get3A_10 = vector.load %arg1[%get3A_8, %get3A_9] : memref<5000x12xf32, #tpu.memory_space<vmem>>, vector<5000x12xf32>
    %mul3A_11 = vector.broadcast %get3A_1 : vector<5000x1xf32> to vector<5000x12xf32>
    %mul3A_12 = arith.mulf %get3A_10, %mul3A_11 : vector<5000x12xf32>
    %swap3A_13 = arith.constant 0 : index
    %swap3A_14 = arith.constant 4 : index
    %swap3A_15 = vector.load %arg5[%swap3A_13, %swap3A_14] : memref<5000x273xf32, #tpu.memory_space<vmem>>, vector<5000x12xf32>
    tpu.vector_store %arg5[%swap3A_13, %swap3A_14], %mul3A_12 {strides = array<i32>} : memref<5000x273xf32, #tpu.memory_space<vmem>>, vector<5000x12xf32>,
    %get3A_16 = arith.constant 0 : index
    %get3A_17 = arith.constant 0 : index
    %get3A_18 = vector.load %arg2[%get3A_16, %get3A_17] : memref<5000x1xf32, #tpu.memory_space<vmem>>, vector<5000x1xf32>
    %mul3A_19 = arith.mulf %get3A_18, %get3A_1 : vector<5000x1xf32>
    %swap3A_20 = arith.constant 0 : index
    %swap3A_21 = arith.constant 16 : index
    %swap3A_22 = vector.load %arg5[%swap3A_20, %swap3A_21] : memref<5000x273xf32, #tpu.memory_space<vmem>>, vector<5000x1xf32>
    tpu.vector_store %arg5[%swap3A_20, %swap3A_21], %mul3A_19 {strides = array<i32>} : memref<5000x273xf32, #tpu.memory_space<vmem>>, vector<5000x1xf32>,
    %get3A_23 = arith.constant 0 : index
    %get3A_24 = arith.constant 0 : index
    %get3A_25 = vector.load %arg3[%get3A_23, %get3A_24] : memref<5000x256xf32, #tpu.memory_space<vmem>>, vector<5000x256xf32>
    %mul3A_26 = vector.broadcast %get3A_1 : vector<5000x1xf32> to vector<5000x256xf32>
    %mul3A_27 = arith.mulf %get3A_25, %mul3A_26 : vector<5000x256xf32>
    %swap3A_28 = arith.constant 0 : index
    %swap3A_29 = arith.constant 17 : index
    %swap3A_30 = vector.load %arg5[%swap3A_28, %swap3A_29] : memref<5000x273xf32, #tpu.memory_space<vmem>>, vector<5000x256xf32>
    tpu.vector_store %arg5[%swap3A_28, %swap3A_29], %mul3A_27 {strides = array<i32>} : memref<5000x273xf32, #tpu.memory_space<vmem>>, vector<5000x256xf32>,
    return
  }
}

</mosaic_0001>

<sc_bundles>
// kernel: gather_offload_async_start.1
scs
__scs_entry_jumppad:
0x0: {  	(pc) =	sbr.rel $0x88, $3  }
0x1: {  	(tag) =	ssettag $0x0;
	lr =	simm.s32 $0x1  }
0x2: {  	[smem:$0x3F9A] =	sst lr;
	_ =	strace $0xD0000000  }
0x3: {  	_ = 	snop  }
0x4: {  	_ = 	snop  }
0x5: {  	_ = 	snop  }
0x6: {  	_ = 	snop  }
0x7: {  	_ = 	snop  }
__scs_overlays_trampoline_lowered:
0x8: {  	[smem:$0x3FA9] =	sst s0  }
0x9: {  	[smem:$0x3FAA] =	sst s1  }
0xa: {  	[smem:$0x3FAB] =	sst s2  }
0xb: {  	[smem:$0x3FAC] =	sst s3  }
0xc: {  	[smem:$0x3FAD] =	sst s4  }
0xd: {  	[smem:$0x3FAE] =	sst s5  }
0xe: {  	[smem:$0x3FAF] =	sst s6  }
0xf: {  	[smem:$0x3FB0] =	sst s7  }
0x10: {  	[smem:$0x3FB1] =	sst s8  }
0x11: {  	[smem:$0x3FB2] =	sst s9;
	s0 =	simm.s32 @!p0 $0x0  }
0x12: {  	s1 =	sld [smem:$0x3F98];
	s0 =	simm.s32 @p0 $0x1  }
0x13: {  	[smem:$0x3FB3] =	sst s0;
	s0 =	simm.s32 @!p1 $0x0  }
0x14: {  	s2 =	sld [smem:$0x3F97];
	s0 =	simm.s32 @p1 $0x1  }
0x15: {  	[smem:$0x3FB4] =	sst s0;
	s0 =	simm.s32 @!p2 $0x0  }
0x16: {  	s3 =	sld [smem:$0x3FDB];
	s0 =	simm.s32 @p2 $0x1  }
0x17: {  	s4 =	simm.s32 $0x1BF5;
	[smem:$0x3FB6] =	sst s0  }
0x18: {  	s0 =	sld [smem:$0x3F99];
	_ =	swait.ge [sflag:s4], $0x0  }
0x19: {  	s7 =	sld [smem:$0x3F9A]  }
0x1a: {  	s8 =	sadd.s32 $0xFFFFE003, lr  }
0x1b: {  	s9 =	sadd.s32 $0xFFFFFEF7, lr;
	s5 =	simm.s32 $0xFFFFFFFF;
	p2 =	slt.u32 s8, $0xFFFFF086  }
0x1c: {  	p1 =	slt.u32 s9, $0xF7A;
	s5 =	simm.s32 @!p2 $0x0  }
0x1d: {  	s5 =	simm.s32 @p1 $0x1;
	p0 =	seq.s32 s7, s2  }
0x1e: {  	s7 =	smul.u32 @!p0 $0xF7A, s2;
	p2 =	seq.s32 @!p0 s5, $0x0  }
0x1f: {  	s9 =	smul.u32 $0xF7A, s1;
	s8 =	simm.s32 @!p0 $0x1BF5;
	p2 =	por !p2, p0  }
0x20: {  	[sflag:s8] =	ssyncset.s32 @!p0 $0xFFFFF086;
	s6 =	sadd.s32 @!p0 s3, s7;
	s7 =	simm.s32 @!p0 $0x108  }
0x21: {  	s3 =	sadd.s32 s3, s9;
	s6 =	sadd.s32 @!p0 $0x88, s6;
	s7 =	simm.s32 @p2 $0x1082  }
0x22: {  	[simem:s7], [sflag:s8] =	dma.local @!p0 [hbm:s6], $0xF7A  }
0x23: {  	s9 =	sor.u32 $0xD0000000, s2;
	s6 =	simm.s32 $0x108;
	_ =	swait.ge @!p0 [sflag:s8], $0x0  }
0x24: {  	s3 =	sadd.s32 $0x88, s3;
	s6 =	simm.s32 @!p1 $0x1082;
	[sflag:s4] =	ssyncset.s32 $0xFFFFF086  }
0x25: {  	[simem:s6], [sflag:s4] =	dma.local [hbm:s3], $0xF7A  }
0x26: {  	[smem:$0x3F9A] =	sst s1;
	(tag) =	ssettag s2;
	_ =	strace s9  }
0x27: {  	s1 =	sld [smem:$0x3FAA]  }
0x28: {  	s2 =	sld [smem:$0x3FAB]  }
0x29: {  	s4 =	sld [smem:$0x3FAD]  }
0x2a: {  	p0 =	seq.s32 s5, $0x0;
	s5 =	sld [smem:$0x3FAE]  }
0x2b: {  	s6 =	sld [smem:$0x3FAF]  }
0x2c: {  	s7 =	sld [smem:$0x3FB0]  }
0x2d: {  	s3 =	simm.s32 $0x108;
	s8 =	sld [smem:$0x3FB1]  }
0x2e: {  	s3 =	simm.s32 @!p0 $0x1082;
	s9 =	sld [smem:$0x3FB2]  }
0x2f: {  	lr =	sadd.s32 s0, s3;
	s0 =	sld [smem:$0x3FA9]  }
0x30: {  	s3 =	sld [smem:$0x3FAC]  }
0x31: {  	[smem:$0x3FB5] =	sst s10  }
0x32: {  	s10 =	sld [smem:$0x3FB3];
	_ =	sdelay $0x3  }
0x33: {  	p0 =	seq.s32 s10, $0x1;
	s10 =	sld [smem:$0x3FB5];
	_ =	sdelay $0x3  }
0x34: {  	[smem:$0x3FB5] =	sst s10  }
0x35: {  	s10 =	sld [smem:$0x3FB4];
	_ =	sdelay $0x3  }
0x36: {  	p1 =	seq.s32 s10, $0x1;
	s10 =	sld [smem:$0x3FB5];
	_ =	sdelay $0x3  }
0x37: {  	[smem:$0x3FB5] =	sst s10  }
0x38: {  	s10 =	sld [smem:$0x3FB6]  }
0x39: {  	_ = 	snop;
	(pc) =	sbr.ind lr, $3  }
0x3a: {  	_ = 	snop  }
0x3b: {  	_ = 	snop  }
0x3c: {  	p2 =	seq.s32 s10, $0x1;
	s10 =	sld [smem:$0x3FB5]  }
0x3d: {  	_ =	shalt  }
0x3e: {  	_ =	shalt  }
0x3f: {  	_ =	shalt  }
0x40: {  	_ =	shalt  }
0x41: {  	_ =	shalt  }
0x42: {  	_ =	shalt  }
0x43: {  	_ =	shalt  }
0x44: {  	_ =	shalt  }
0x45: {  	_ =	shalt  }
0x46: {  	_ =	shalt  }
0x47: {  	_ =	shalt  }
0x48: {  	_ =	shalt  }
0x49: {  	_ =	shalt  }
0x4a: {  	_ =	shalt  }
0x4b: {  	_ =	shalt  }
0x4c: {  	_ =	shalt  }
0x4d: {  	_ =	shalt  }
0x4e: {  	_ =	shalt  }
0x4f: {  	_ =	shalt  }
0x50: {  	_ =	shalt  }
0x51: {  	_ =	shalt  }
0x52: {  	_ =	shalt  }
0x53: {  	_ =	shalt  }
0x54: {  	_ =	shalt  }
0x55: {  	_ =	shalt  }
0x56: {  	_ =	shalt  }
0x57: {  	_ =	shalt  }
0x58: {  	_ =	shalt  }
0x59: {  	_ =	shalt  }
0x5a: {  	_ =	shalt  }
0x5b: {  	_ =	shalt  }
0x5c: {  	_ =	shalt  }
0x5d: {  	_ =	shalt  }
0x5e: {  	_ =	shalt  }
0x5f: {  	_ =	shalt  }
0x60: {  	_ =	shalt  }
0x61: {  	_ =	shalt  }
0x62: {  	_ =	shalt  }
0x63: {  	_ =	shalt  }
0x64: {  	_ =	shalt  }
0x65: {  	_ =	shalt  }
0x66: {  	_ =	shalt  }
0x67: {  	_ =	shalt  }
0x68: {  	_ =	shalt  }
0x69: {  	_ =	shalt  }
0x6a: {  	_ =	shalt  }
0x6b: {  	_ =	shalt  }
0x6c: {  	_ =	shalt  }
0x6d: {  	_ =	shalt  }
0x6e: {  	_ =	shalt  }
0x6f: {  	_ =	shalt  }
0x70: {  	_ =	shalt  }
0x71: {  	_ =	shalt  }
0x72: {  	_ =	shalt  }
0x73: {  	_ =	shalt  }
0x74: {  	_ =	shalt  }
0x75: {  	_ =	shalt  }
0x76: {  	_ =	shalt  }
0x77: {  	_ =	shalt  }
0x78: {  	_ =	shalt  }
0x79: {  	_ =	shalt  }
0x7a: {  	_ =	shalt  }
0x7b: {  	_ =	shalt  }
0x7c: {  	_ =	shalt  }
0x7d: {  	_ =	shalt  }
0x7e: {  	_ =	shalt  }
0x7f: {  	_ =	shalt  }
0x80: {  	_ =	shalt  }
0x81: {  	_ =	shalt  }
0x82: {  	_ =	shalt  }
0x83: {  	_ =	shalt  }
0x84: {  	_ =	shalt  }
0x85: {  	_ =	shalt  }
0x86: {  	_ =	shalt  }
0x87: {  	_ =	shalt  }
.Lfunc_end0:
.L_simem_size_0:
called_computation.1_lowered:
.L_overlay_start_0:
0x88: {  	s0 =	sld [smem:$0x3FD9]  }
0x89: {  	s1 =	sld [smem:$0x3FFE];
	_ =	sdelay $0x3  }
0x8a: {  	s0 =	sadd.s32 s1, s0  }
0x8b: {  	[smem:$0x3FC1] =	sst s0  }
0x8c: {  	_ = 	snop  }
0x8d: {  	s0 =	sld [smem:$0x3FD0];
	(tm) =	ssettm $0x1  }
0x8e: {  	s16 =	sld [smem:$0x3FFB];
	_ =	sdelay $0x3  }
0x8f: {  	_ =	strace s16  }
0x90: {  	s1 =	sld [smem:$0x3FFC];
	_ =	sdelay $0x3  }
0x91: {  	_ =	strace s1  }
0x92: {  	s1 =	sld [smem:$0x3FFD];
	_ =	sdelay $0x3  }
0x93: {  	_ =	strace s1  }
0x94: {  	_ =	strace $0x8FFFFFFF  }
0x95: {  	s17 =	sld [smem:$0x3FDB];
	_ =	sdelay $0x1  }
0x96: {  	s2 =	simm.s32 $_scs_section_size  }
0x97: {  	s3 =	simm.s32 $_size__tile_overlayer_lowered;
	s4 =	simm.s32 $_tile_overlayer_lowered  }
0x98: {  	s20 =	simm.s32 $0x1BFF;
	s19 =	sshll.u32 s4, $0x1;
	s1 =	sadd.s32 s2, s17  }
0x99: {  	s5 =	simm.s32 $0x0;
	s18 =	sshll.u32 s3, $0x1;
	s3 =	sadd.s32 s19, s1  }
0x9a: {  	[timem:s5], [sflag:s20] =	dma.local [hbm:s3], s18  }
0x9b: {  	_ =	swait.ge [sflag:s20], s18  }
0x9c: {  	s2 =	ssub.s32 $0x0, s18;
	[sflag:s20] =	ssyncset.done $0x0  }
0x9d: {  	[sflag:s20] =	ssyncadd.s32 s2;
	_ =	sdelay $0x1  }
0x9e: {  	s21 =	simm.s32 $0x1B8B  }
0x9f: {  	_ =	swait.ge [sflag:s21], $0x1  }
0xa0: {  	[sflag:s21] =	ssyncset.done $0x0  }
0xa1: {  	s23 =	simm.s32 $0x1B8E;
	s22 =	sld [smem:$0x3FFE];
	[sflag:s21] =	ssyncadd.s32 $0xFFFFFFFF  }
0xa2: {  	s24 =	simm.s32 $execute0_lowered;
	[smem:$0x3FD2] =	sst s23  }
0xa3: {  	s3 =	sshll.u32 s24, $0x1;
	_ =	strace $0x8000004C;
	[dreg:$0x1] =	wrdreg $0xFFFFFFFF  }
0xa4: {  	s25 =	simm.s32 $_size_execute0_lowered;
	s1 =	sadd.s32 s1, s3;
	[dreg:$0x0] =	wrdreg $0x0  }
0xa5: {  	s3 =	sshll.u32 s25, $0x1;
	[dreg:$0x2] =	wrdreg s1  }
0xa6: {  	[dreg:$0x3] =	wrdreg s3  }
0xa7: {  	[dreg:$0x4] =	wrdreg $0xC0  }
0xa8: {  	_ =	task [dreg:s5], $0x5FFFF  }
0xa9: {  	[dreg:$0x1] =	wrdreg $0xFFFFFFFF  }
0xaa: {  	[dreg:$0x0] =	wrdreg $0x60  }
0xab: {  	[dreg:$0x2] =	wrdreg s0  }
0xac: {  	[dreg:$0x3] =	wrdreg s22  }
0xad: {  	[dreg:$0x4] =	wrdreg $0x9  }
0xae: {  	_ =	task.clear_ibuf [dreg:s5], $0x5FFFF;
	_ =	strace $0x9000004C  }
0xaf: {  	s26 =	simm.s32 $0x9;
	_ =	strace $0x8000004E  }
0xb0: {  	_ =	swait.ge [sflag:s26], $0x1  }
0xb1: {  	[sflag:s26] =	ssyncadd.s32 $0xFFFFFFFF  }
0xb2: {  	_ =	strace $0x9000004E  }
0xb3: {  	_ =	sfence  }
0xb4: {  	s28 =	sld [smem:$0x0];
	_ =	sdelay $0x1  }
0xb5: {  	s29 =	srdreg.scid  }
0xb6: {  	s30 =	sshll.u32 s29, $0xD;
	s31 =	sshrl.u32 s29, $0x2  }
0xb7: {  	s2 =	sand.u32 $0x4000, s30;
	s1 =	sand.u32 $0x1, s29;
	s0 =	sadd.s32 s31, s28  }
0xb8: {  	s1 =	sor.u32 s2, s1;
	s0 =	sshll.u32 s0, $0x11  }
0xb9: {  	s0 =	sor.u32 s0, s1  }
0xba: {  	s0 =	sadd.s32 $0x8F2B, s0  }
0xbb: {  	[sflag:s0] =	ssyncadd.remote.s32 $0x1  }
0xbc: {  	_ =	sfence.sel $0xFFFF  }
0xbd: {  	[dreg:$0x0] =	wrdreg $0xFFFFFFFF;
	(pc) =	sbr.abs _section_cstart, $3  }
0xbe: {  	[dreg:$0x1] =	wrdreg $0xFFFFFFFF  }
0xbf: {  	_ =	task.clear_ibuf [dreg:s5], $0x2FFFF;
	_ =	strace $0x9FFFFFFF  }
0xc0: {  	(tm) =	ssettm $0x7FFFFFFF  }
0xc1: {  	_ =	shalt  }
tec
execute0_lowered:
.L_overlay_start_1:
0x0: {  	(tag) =	ssettag $0x1  }
0x1: {  	s2 =	rddreg [dreg:$0x0]  }
0x2: {  	s3 =	rddreg [dreg:$0x1]  }
0x3: {  	s0 =	rddreg [dreg:$0x2];
	s1 =	stileid.u32  }
0x4: {  	_ =	strace $0x8000004D;
	s6 =	simm.s32 $0x1;
	s8 =	simm.s32 $0x2  }
0x5: {  	s30 =	simm.s32 $0x3;
	s12 =	simm.s32 $0x0;
	s4 =	sshll.u32 s1, $0x4  }
0x6: {  	s9 =	simm.s32 $0x0;
	s10 =	simm.s32 $0x0;
	s7 =	ssub.s32 $0x1380, s4  }
0x7: {  	s5 =	sadd.s32 $0x400, s3;
	[sflag:s6] =	ssyncpa.u1 $0x0;
	s6 =	sshrl.u32 s7, $0x8  }
0x8: {  	[sflag:s8] =	ssyncpa.u1 $0x0;
	s11 =	smov.u32 s4;
	s31 =	sshll.u32 s6, $0x4  }
0x9: {  	[sflag:s30] =	ssyncpa.u1 $0x0;
	s7 =	sadd.s32 $0x2, s6;
	s8 =	sadd.s32 $0x30, s31  }
.LBB2_1:
0xa: {  	p0 =	sgt.u32 s10, s6  }
0xb: {  	s13 =	sxor.u32 @!p0 $0xFFFFFFFF, s9;
	s14 =	sshrl.u32 @!p0 s11, $0x3  }
0xc: {  	s15 =	sand.u32 @!p0 $0x7, s11;
	s13 =	sand.u32 @!p0 $0x10, s13;
	s14 =	sadd.s32 @!p0 s5, s14  }
0xd: {  	[tilespmem:s13], [sflag:$0x2] =	stream.linear.gather @!p0 [hbm4b:s14+s15], $0x10, $0x38;
	[tilespmem:$0x40] =	vst v63  }
0xe: {  	p0 =	seq.s32 s9, $0x0  }
0xf: {  	p1 =	sge.u32 @!p0 s10, s7  }
0x10: {  	p0 =	por p1, p0  }
0x11: {  	s13 =	simm.s32 @!p0 $0x2  }
0x12: {  	_ =	swait.ge @!p0 [sflag:s13], $0x10  }
0x13: {  	[sflag:s13] =	ssyncset.done @!p0 $0x0  }
0x14: {  	[sflag:s13] =	ssyncadd.s32 @!p0 $0xFFFFFFF0;
	s13 =	sand.u32 @!p0 $0x10, s9  }
0x15: {  	(ifvalue) =	ssetifvalue @!p0 $0x7FFFFFFF;
	v0 =	vld.msk @!p0 [tilespmem:s13+$0x0 ss:$0x1], $0xffff;
	_ =	sdelay $0x4  }
0x16: {  	v1 =	vshll.u32 @!p0 v0, $0x7  }
0x17: {  	vm0 =	veq.s32 @!p0 v0, $0x80000000;
	v0 =	vand.u32 @!p0 $0xFFF80, v1  }
0x18: {  	v1 =	vimm.s32 @!p0 $0x0;
	v0 =	vsel @!p0 vm0, $0xFFFFFF80, v0  }
0x19: {  	v3 =	vsel @!p0 vm0, $0xFFFFFC00, v1;
	v2 =	vand.u32 @!p0 $0xFFFFFC00, v0  }
0x1a: {  	v0 =	vand.u32 @!p0 $0x380, v0;
	v2 =	vadd.s32 @!p0 v3, v2  }
0x1b: {  	v1 =	vsel @!p0 vm0, $0x7F, v1;
	v0 =	vor.u32 @!p0 v0, v2  }
0x1c: {  	v0 =	vor.u32 @!p0 v1, v0;
	_ =	sdelay $0x3  }
0x1d: {  	s14 =	simm.s32 @!p0 $0x0;
	s13 =	sor.u32 @!p0 $0x20, s13;
	(ifvalue) =	ssetifvalue @!p0 $0x7FFFFFFF;
	vm0 =	vmmov @!p0 $0xffff  }
0x1e: {  	[tilespmem:s13], [sflag:$0x1] =	stream.indirect_vreg.gather @!p0 [hbm4b:s2+s14], $0x1, v0, vm0, $0x4038;
	[tilespmem:$0x40] =	vst v63  }
0x1f: {  	s14 =	simm.s32 @!p0 $0x1  }
0x20: {  	_ =	swait.ge @!p0 [sflag:s14], $0x10  }
0x21: {  	s15 =	sshrl.u32 @!p0 s12, $0x3;
	[sflag:s14] =	ssyncset.done @!p0 $0x0  }
0x22: {  	s12 =	sand.u32 @!p0 $0x7, s12;
	[sflag:s14] =	ssyncadd.s32 @!p0 $0xFFFFFFF0;
	s14 =	sadd.s32 @!p0 s3, s15  }
0x23: {  	[hbm4b:s14+s12] =	stream.linear.scatter @!p0 [tilespmem:s13], [sflag:$0x3], $0x10, $0x38;
	[tilespmem:$0x40] =	vst v63  }
0x24: {  	s14 =	sadd.s32 $0x100, s11  }
0x25: {  	s9 =	sadd.s32 $0x10, s9;
	p1 =	sgt.s32 s14, $0x1387  }
0x26: {  	s14 =	smov.u32 @p1 s4;
	p1 =	sne.s32 s8, s9  }
.Ltmp0:
0x27: {  	p0 =	slt.u32 s10, $0x2;
	(pc) =	sbr.rel @p1 .LBB2_1-.Ltmp0, $4  }
0x28: {  	s13 =	simm.s32 @!p0 $0x3  }
0x29: {  	_ =	swait.ge @!p0 [sflag:s13], $0x10  }
0x2a: {  	s12 =	smov.u32 s11;
	[sflag:s13] =	ssyncset.done @!p0 $0x0  }
0x2b: {  	s10 =	sadd.s32 $0x1, s10;
	s11 =	smov.u32 s14;
	[sflag:s13] =	ssyncadd.s32 @!p0 $0xFFFFFFF0  }
0x2c: {  	_ =	sfence.sel $0x180000  }
0x2d: {  	s2 =	simm.s32 $0x2;
	[bflag:$0x0] =	sbarrier.arrive $0xFFFF  }
0x2e: {  	s30 =	simm.s32 $0x3;
	[sflag:s2] =	ssyncpa.u1 $0x1  }
0x2f: {  	s31 =	simm.s32 $0x1;
	[sflag:s30] =	ssyncpa.u1 $0x1  }
0x30: {  	[sflag:s31] =	ssyncpa.u1 $0x1  }
0x31: {  	p0 =	sne.s32 s1, $0x0;
	_ =	strace $0x9000004D  }
0x32: {  	s0 =	sadd.s32 @!p0 $0x100000, s0;
	[bflag:$0x2] =	sbarrier.arrive $0xFFFF  }
0x33: {  	[sflag:s0] =	ssyncadd.tile.s32 @!p0 $0x1;
	_ =	shalt  }
.Lfunc_end2:
_tile_overlayer_lowered:
.L_overlay_start_2:
0x34: {  	(tag) =	ssettag $0x2  }
0x35: {  	s0 =	rddreg [dreg:$0x0];
	s2 =	stileid.u32  }
0x36: {  	s1 =	rddreg [dreg:$0x1];
	p0 =	sne.s32 s2, $0x0  }
0x37: {  	s3 =	rddreg [dreg:$0x2];
	[bflag:$0x3] =	sbarrier.arrive $0xFFFF;
	s2 =	simm.s32 @!p0 $0x1C01  }
0x38: {  	[timem:s3], [sflag:s2] =	dma.local @!p0 [hbm:s0], s1  }
0x39: {  	s0 =	simm.s32 @!p0 $0x1  }
0x3a: {  	_ =	swait.ge @!p0 [sflag:s0], s1  }
0x3b: {  	s1 =	ssub.s32 @!p0 $0x0, s1;
	[sflag:s0] =	ssyncset.done @!p0 $0x0  }
0x3c: {  	[sflag:s0] =	ssyncadd.s32 @!p0 s1  }
0x3d: {  	[bflag:$0x3] =	sbarrier.arrive $0xFFFF  }
0x3e: {  	_ =	shalt  }

// kernel: gather_offload_async_start
scs
__scs_entry_jumppad:
0x0: {  	(pc) =	sbr.rel $0x88, $3  }
0x1: {  	(tag) =	ssettag $0x0;
	lr =	simm.s32 $0x1  }
0x2: {  	[smem:$0x3F9A] =	sst lr;
	_ =	strace $0xD0000000  }
0x3: {  	_ = 	snop  }
0x4: {  	_ = 	snop  }
0x5: {  	_ = 	snop  }
0x6: {  	_ = 	snop  }
0x7: {  	_ = 	snop  }
__scs_overlays_trampoline_lowered:
0x8: {  	[smem:$0x3FA9] =	sst s0  }
0x9: {  	[smem:$0x3FAA] =	sst s1  }
0xa: {  	[smem:$0x3FAB] =	sst s2  }
0xb: {  	[smem:$0x3FAC] =	sst s3  }
0xc: {  	[smem:$0x3FAD] =	sst s4  }
0xd: {  	[smem:$0x3FAE] =	sst s5  }
0xe: {  	[smem:$0x3FAF] =	sst s6  }
0xf: {  	[smem:$0x3FB0] =	sst s7  }
0x10: {  	[smem:$0x3FB1] =	sst s8  }
0x11: {  	[smem:$0x3FB2] =	sst s9;
	s0 =	simm.s32 @!p0 $0x0  }
0x12: {  	s1 =	sld [smem:$0x3F98];
	s0 =	simm.s32 @p0 $0x1  }
0x13: {  	[smem:$0x3FB3] =	sst s0;
	s0 =	simm.s32 @!p1 $0x0  }
0x14: {  	s2 =	sld [smem:$0x3F97];
	s0 =	simm.s32 @p1 $0x1  }
0x15: {  	[smem:$0x3FB4] =	sst s0;
	s0 =	simm.s32 @!p2 $0x0  }
0x16: {  	s3 =	sld [smem:$0x3FDB];
	s0 =	simm.s32 @p2 $0x1  }
0x17: {  	s4 =	simm.s32 $0x1BF5;
	[smem:$0x3FB6] =	sst s0  }
0x18: {  	s0 =	sld [smem:$0x3F99];
	_ =	swait.ge [sflag:s4], $0x0  }
0x19: {  	s7 =	sld [smem:$0x3F9A]  }
0x1a: {  	s8 =	sadd.s32 $0xFFFFE003, lr  }
0x1b: {  	s9 =	sadd.s32 $0xFFFFFEF7, lr;
	s5 =	simm.s32 $0xFFFFFFFF;
	p2 =	slt.u32 s8, $0xFFFFF086  }
0x1c: {  	p1 =	slt.u32 s9, $0xF7A;
	s5 =	simm.s32 @!p2 $0x0  }
0x1d: {  	s5 =	simm.s32 @p1 $0x1;
	p0 =	seq.s32 s7, s2  }
0x1e: {  	s7 =	smul.u32 @!p0 $0xF7A, s2;
	p2 =	seq.s32 @!p0 s5, $0x0  }
0x1f: {  	s9 =	smul.u32 $0xF7A, s1;
	s8 =	simm.s32 @!p0 $0x1BF5;
	p2 =	por !p2, p0  }
0x20: {  	[sflag:s8] =	ssyncset.s32 @!p0 $0xFFFFF086;
	s6 =	sadd.s32 @!p0 s3, s7;
	s7 =	simm.s32 @!p0 $0x108  }
0x21: {  	s3 =	sadd.s32 s3, s9;
	s6 =	sadd.s32 @!p0 $0x88, s6;
	s7 =	simm.s32 @p2 $0x1082  }
0x22: {  	[simem:s7], [sflag:s8] =	dma.local @!p0 [hbm:s6], $0xF7A  }
0x23: {  	s9 =	sor.u32 $0xD0000000, s2;
	s6 =	simm.s32 $0x108;
	_ =	swait.ge @!p0 [sflag:s8], $0x0  }
0x24: {  	s3 =	sadd.s32 $0x88, s3;
	s6 =	simm.s32 @!p1 $0x1082;
	[sflag:s4] =	ssyncset.s32 $0xFFFFF086  }
0x25: {  	[simem:s6], [sflag:s4] =	dma.local [hbm:s3], $0xF7A  }
0x26: {  	[smem:$0x3F9A] =	sst s1;
	(tag) =	ssettag s2;
	_ =	strace s9  }
0x27: {  	s1 =	sld [smem:$0x3FAA]  }
0x28: {  	s2 =	sld [smem:$0x3FAB]  }
0x29: {  	s4 =	sld [smem:$0x3FAD]  }
0x2a: {  	p0 =	seq.s32 s5, $0x0;
	s5 =	sld [smem:$0x3FAE]  }
0x2b: {  	s6 =	sld [smem:$0x3FAF]  }
0x2c: {  	s7 =	sld [smem:$0x3FB0]  }
0x2d: {  	s3 =	simm.s32 $0x108;
	s8 =	sld [smem:$0x3FB1]  }
0x2e: {  	s3 =	simm.s32 @!p0 $0x1082;
	s9 =	sld [smem:$0x3FB2]  }
0x2f: {  	lr =	sadd.s32 s0, s3;
	s0 =	sld [smem:$0x3FA9]  }
0x30: {  	s3 =	sld [smem:$0x3FAC]  }
0x31: {  	[smem:$0x3FB5] =	sst s10  }
0x32: {  	s10 =	sld [smem:$0x3FB3];
	_ =	sdelay $0x3  }
0x33: {  	p0 =	seq.s32 s10, $0x1;
	s10 =	sld [smem:$0x3FB5];
	_ =	sdelay $0x3  }
0x34: {  	[smem:$0x3FB5] =	sst s10  }
0x35: {  	s10 =	sld [smem:$0x3FB4];
	_ =	sdelay $0x3  }
0x36: {  	p1 =	seq.s32 s10, $0x1;
	s10 =	sld [smem:$0x3FB5];
	_ =	sdelay $0x3  }
0x37: {  	[smem:$0x3FB5] =	sst s10  }
0x38: {  	s10 =	sld [smem:$0x3FB6]  }
0x39: {  	_ = 	snop;
	(pc) =	sbr.ind lr, $3  }
0x3a: {  	_ = 	snop  }
0x3b: {  	_ = 	snop  }
0x3c: {  	p2 =	seq.s32 s10, $0x1;
	s10 =	sld [smem:$0x3FB5]  }
0x3d: {  	_ =	shalt  }
0x3e: {  	_ =	shalt  }
0x3f: {  	_ =	shalt  }
0x40: {  	_ =	shalt  }
0x41: {  	_ =	shalt  }
0x42: {  	_ =	shalt  }
0x43: {  	_ =	shalt  }
0x44: {  	_ =	shalt  }
0x45: {  	_ =	shalt  }
0x46: {  	_ =	shalt  }
0x47: {  	_ =	shalt  }
0x48: {  	_ =	shalt  }
0x49: {  	_ =	shalt  }
0x4a: {  	_ =	shalt  }
0x4b: {  	_ =	shalt  }
0x4c: {  	_ =	shalt  }
0x4d: {  	_ =	shalt  }
0x4e: {  	_ =	shalt  }
0x4f: {  	_ =	shalt  }
0x50: {  	_ =	shalt  }
0x51: {  	_ =	shalt  }
0x52: {  	_ =	shalt  }
0x53: {  	_ =	shalt  }
0x54: {  	_ =	shalt  }
0x55: {  	_ =	shalt  }
0x56: {  	_ =	shalt  }
0x57: {  	_ =	shalt  }
0x58: {  	_ =	shalt  }
0x59: {  	_ =	shalt  }
0x5a: {  	_ =	shalt  }
0x5b: {  	_ =	shalt  }
0x5c: {  	_ =	shalt  }
0x5d: {  	_ =	shalt  }
0x5e: {  	_ =	shalt  }
0x5f: {  	_ =	shalt  }
0x60: {  	_ =	shalt  }
0x61: {  	_ =	shalt  }
0x62: {  	_ =	shalt  }
0x63: {  	_ =	shalt  }
0x64: {  	_ =	shalt  }
0x65: {  	_ =	shalt  }
0x66: {  	_ =	shalt  }
0x67: {  	_ =	shalt  }
0x68: {  	_ =	shalt  }
0x69: {  	_ =	shalt  }
0x6a: {  	_ =	shalt  }
0x6b: {  	_ =	shalt  }
0x6c: {  	_ =	shalt  }
0x6d: {  	_ =	shalt  }
0x6e: {  	_ =	shalt  }
0x6f: {  	_ =	shalt  }
0x70: {  	_ =	shalt  }
0x71: {  	_ =	shalt  }
0x72: {  	_ =	shalt  }
0x73: {  	_ =	shalt  }
0x74: {  	_ =	shalt  }
0x75: {  	_ =	shalt  }
0x76: {  	_ =	shalt  }
0x77: {  	_ =	shalt  }
0x78: {  	_ =	shalt  }
0x79: {  	_ =	shalt  }
0x7a: {  	_ =	shalt  }
0x7b: {  	_ =	shalt  }
0x7c: {  	_ =	shalt  }
0x7d: {  	_ =	shalt  }
0x7e: {  	_ =	shalt  }
0x7f: {  	_ =	shalt  }
0x80: {  	_ =	shalt  }
0x81: {  	_ =	shalt  }
0x82: {  	_ =	shalt  }
0x83: {  	_ =	shalt  }
0x84: {  	_ =	shalt  }
0x85: {  	_ =	shalt  }
0x86: {  	_ =	shalt  }
0x87: {  	_ =	shalt  }
.Lfunc_end0:
.L_simem_size_0:
called_computation_lowered:
.L_overlay_start_0:
0x88: {  	s0 =	sld [smem:$0x3FD9]  }
0x89: {  	s1 =	sld [smem:$0x3FFE];
	_ =	sdelay $0x3  }
0x8a: {  	s0 =	sadd.s32 s1, s0  }
0x8b: {  	[smem:$0x3FC1] =	sst s0  }
0x8c: {  	_ = 	snop  }
0x8d: {  	s0 =	sld [smem:$0x3FC3]  }
0x8e: {  	s16 =	sld [smem:$0x3FD0];
	(tm) =	ssettm $0x1  }
0x8f: {  	s2 =	sld [smem:$0x3FFB];
	_ =	sdelay $0x3  }
0x90: {  	_ =	strace s2  }
0x91: {  	s2 =	sld [smem:$0x3FFC];
	_ =	sdelay $0x3  }
0x92: {  	_ =	strace s2  }
0x93: {  	s2 =	sld [smem:$0x3FFD];
	_ =	sdelay $0x3  }
0x94: {  	_ =	strace s2  }
0x95: {  	_ =	strace $0x8FFFFFFF  }
0x96: {  	s17 =	sld [smem:$0x3FDB];
	_ =	sdelay $0x1  }
0x97: {  	s3 =	simm.s32 $_scs_section_size  }
0x98: {  	s4 =	simm.s32 $_size__tile_overlayer_lowered;
	s5 =	simm.s32 $_tile_overlayer_lowered  }
0x99: {  	s20 =	simm.s32 $0x1BFF;
	s19 =	sshll.u32 s5, $0x1;
	s2 =	sadd.s32 s3, s17  }
0x9a: {  	s6 =	simm.s32 $0x0;
	s18 =	sshll.u32 s4, $0x1;
	s4 =	sadd.s32 s19, s2  }
0x9b: {  	[timem:s6], [sflag:s20] =	dma.local [hbm:s4], s18  }
0x9c: {  	_ =	swait.ge [sflag:s20], s18  }
0x9d: {  	s3 =	ssub.s32 $0x0, s18;
	[sflag:s20] =	ssyncset.done $0x0  }
0x9e: {  	[sflag:s20] =	ssyncadd.s32 s3;
	_ =	sdelay $0x1  }
0x9f: {  	s21 =	simm.s32 $0x1B8B  }
0xa0: {  	_ =	swait.ge [sflag:s21], $0x1  }
0xa1: {  	[sflag:s21] =	ssyncset.done $0x0  }
0xa2: {  	s23 =	simm.s32 $0x1B8E;
	s22 =	sld [smem:$0x3FFE];
	[sflag:s21] =	ssyncadd.s32 $0xFFFFFFFF  }
0xa3: {  	s24 =	simm.s32 $execute0_lowered;
	[smem:$0x3FD2] =	sst s23  }
0xa4: {  	s4 =	sshll.u32 s24, $0x1;
	_ =	strace $0x80000046;
	[dreg:$0x1] =	wrdreg $0xFFFFFFFF  }
0xa5: {  	s25 =	simm.s32 $_size_execute0_lowered;
	s2 =	sadd.s32 s2, s4;
	[dreg:$0x0] =	wrdreg $0x0  }
0xa6: {  	s4 =	sshll.u32 s25, $0x1;
	[dreg:$0x2] =	wrdreg s2  }
0xa7: {  	[dreg:$0x3] =	wrdreg s4  }
0xa8: {  	[dreg:$0x4] =	wrdreg $0xC0  }
0xa9: {  	_ =	task [dreg:s6], $0x5FFFF  }
0xaa: {  	[dreg:$0x1] =	wrdreg $0xFFFFFFFF  }
0xab: {  	[dreg:$0x0] =	wrdreg $0x60  }
0xac: {  	[dreg:$0x2] =	wrdreg s0  }
0xad: {  	[dreg:$0x3] =	wrdreg s16  }
0xae: {  	[dreg:$0x4] =	wrdreg s22  }
0xaf: {  	[dreg:$0x5] =	wrdreg $0x9  }
0xb0: {  	_ =	task.clear_ibuf [dreg:s6], $0x6FFFF;
	_ =	strace $0x90000046  }
0xb1: {  	s26 =	simm.s32 $0x9;
	_ =	strace $0x80000048  }
0xb2: {  	_ =	swait.ge [sflag:s26], $0x1  }
0xb3: {  	[sflag:s26] =	ssyncadd.s32 $0xFFFFFFFF  }
0xb4: {  	_ =	strace $0x90000048  }
0xb5: {  	_ =	sfence  }
0xb6: {  	s28 =	sld [smem:$0x0];
	_ =	sdelay $0x1  }
0xb7: {  	s29 =	srdreg.scid  }
0xb8: {  	s30 =	sshll.u32 s29, $0xD;
	s31 =	sshrl.u32 s29, $0x2  }
0xb9: {  	s1 =	sand.u32 $0x1, s29;
	s2 =	sand.u32 $0x4000, s30;
	s0 =	sadd.s32 s31, s28  }
0xba: {  	s1 =	sor.u32 s2, s1;
	s0 =	sshll.u32 s0, $0x11  }
0xbb: {  	s0 =	sor.u32 s0, s1  }
0xbc: {  	s0 =	sadd.s32 $0x8F2B, s0  }
0xbd: {  	[sflag:s0] =	ssyncadd.remote.s32 $0x1  }
0xbe: {  	_ =	sfence.sel $0xFFFF  }
0xbf: {  	[dreg:$0x0] =	wrdreg $0xFFFFFFFF;
	(pc) =	sbr.abs _section_cstart, $3  }
0xc0: {  	[dreg:$0x1] =	wrdreg $0xFFFFFFFF  }
0xc1: {  	_ =	task.clear_ibuf [dreg:s6], $0x2FFFF;
	_ =	strace $0x9FFFFFFF  }
0xc2: {  	(tm) =	ssettm $0x7FFFFFFF  }
0xc3: {  	_ =	shalt  }
tec
execute0_lowered:
.L_overlay_start_1:
0x0: {  	(tag) =	ssettag $0x1  }
0x1: {  	s2 =	rddreg [dreg:$0x0]  }
0x2: {  	s3 =	rddreg [dreg:$0x1]  }
0x3: {  	s5 =	rddreg [dreg:$0x2]  }
0x4: {  	s0 =	rddreg [dreg:$0x3];
	s1 =	stileid.u32  }
0x5: {  	_ =	strace $0x80000047;
	s6 =	simm.s32 $0x1;
	s8 =	simm.s32 $0x2  }
0x6: {  	s30 =	simm.s32 $0x3;
	s12 =	simm.s32 $0x0;
	s4 =	sshll.u32 s1, $0x4  }
0x7: {  	s9 =	simm.s32 $0x0;
	s10 =	simm.s32 $0x0;
	s7 =	ssub.s32 $0x1380, s4  }
0x8: {  	s5 =	sadd.s32 $0x2400, s5;
	[sflag:s6] =	ssyncpa.u1 $0x0;
	s6 =	sshrl.u32 s7, $0x8  }
0x9: {  	[sflag:s8] =	ssyncpa.u1 $0x0;
	s11 =	smov.u32 s4;
	s31 =	sshll.u32 s6, $0x4  }
0xa: {  	[sflag:s30] =	ssyncpa.u1 $0x0;
	s7 =	sadd.s32 $0x2, s6;
	s8 =	sadd.s32 $0x30, s31  }
.LBB2_1:
0xb: {  	p0 =	sgt.u32 s10, s6  }
0xc: {  	s13 =	sxor.u32 @!p0 $0xFFFFFFFF, s9;
	s14 =	sshrl.u32 @!p0 s11, $0x3  }
0xd: {  	s15 =	sand.u32 @!p0 $0x7, s11;
	s13 =	sand.u32 @!p0 $0x10, s13;
	s14 =	sadd.s32 @!p0 s3, s14  }
0xe: {  	[tilespmem:s13], [sflag:$0x2] =	stream.linear.gather @!p0 [hbm4b:s14+s15], $0x10, $0x38;
	[tilespmem:$0x40] =	vst v63  }
0xf: {  	p0 =	seq.s32 s9, $0x0  }
0x10: {  	p1 =	sge.u32 @!p0 s10, s7  }
0x11: {  	p0 =	por p1, p0  }
0x12: {  	s13 =	simm.s32 @!p0 $0x2  }
0x13: {  	_ =	swait.ge @!p0 [sflag:s13], $0x10  }
0x14: {  	[sflag:s13] =	ssyncset.done @!p0 $0x0  }
0x15: {  	[sflag:s13] =	ssyncadd.s32 @!p0 $0xFFFFFFF0;
	s13 =	sand.u32 @!p0 $0x10, s9  }
0x16: {  	(ifvalue) =	ssetifvalue @!p0 $0x7FFFFFFF;
	v0 =	vld.msk @!p0 [tilespmem:s13+$0x0 ss:$0x1], $0xffff;
	_ =	sdelay $0x4  }
0x17: {  	vm0 =	vgt.s32 @!p0 v0, $0x0  }
0x18: {  	v0 =	vnsel @!p0 vm0, $0x0, v0  }
0x19: {  	v0 =	vmin.u32 @!p0 v0, $0x1387;
	_ =	sdelay $0x3  }
0x1a: {  	s14 =	simm.s32 @!p0 $0x0;
	s13 =	sor.u32 @!p0 $0x20, s13;
	(ifvalue) =	ssetifvalue @!p0 $0x7FFFFFFF;
	vm0 =	vmmov @!p0 $0xffff  }
0x1b: {  	[tilespmem:s13], [sflag:$0x1] =	stream.indirect_vreg.gather @!p0 [hbm4b:s2+s14], $0x1, v0, vm0, $0x4038;
	[tilespmem:$0x40] =	vst v63  }
0x1c: {  	s14 =	simm.s32 @!p0 $0x1  }
0x1d: {  	_ =	swait.ge @!p0 [sflag:s14], $0x10  }
0x1e: {  	s15 =	sshrl.u32 @!p0 s12, $0x3;
	[sflag:s14] =	ssyncset.done @!p0 $0x0  }
0x1f: {  	s12 =	sand.u32 @!p0 $0x7, s12;
	[sflag:s14] =	ssyncadd.s32 @!p0 $0xFFFFFFF0;
	s14 =	sadd.s32 @!p0 s5, s15  }
0x20: {  	[hbm4b:s14+s12] =	stream.linear.scatter @!p0 [tilespmem:s13], [sflag:$0x3], $0x10, $0x38;
	[tilespmem:$0x40] =	vst v63  }
0x21: {  	s14 =	sadd.s32 $0x100, s11  }
0x22: {  	s9 =	sadd.s32 $0x10, s9;
	p1 =	sgt.s32 s14, $0x1387  }
0x23: {  	s14 =	smov.u32 @p1 s4;
	p1 =	sne.s32 s8, s9  }
.Ltmp0:
0x24: {  	p0 =	slt.u32 s10, $0x2;
	(pc) =	sbr.rel @p1 .LBB2_1-.Ltmp0, $4  }
0x25: {  	s13 =	simm.s32 @!p0 $0x3  }
0x26: {  	_ =	swait.ge @!p0 [sflag:s13], $0x10  }
0x27: {  	s12 =	smov.u32 s11;
	[sflag:s13] =	ssyncset.done @!p0 $0x0  }
0x28: {  	s10 =	sadd.s32 $0x1, s10;
	s11 =	smov.u32 s14;
	[sflag:s13] =	ssyncadd.s32 @!p0 $0xFFFFFFF0  }
0x29: {  	_ =	sfence.sel $0x180000  }
0x2a: {  	s2 =	simm.s32 $0x2;
	[bflag:$0x0] =	sbarrier.arrive $0xFFFF  }
0x2b: {  	s30 =	simm.s32 $0x3;
	[sflag:s2] =	ssyncpa.u1 $0x1  }
0x2c: {  	s31 =	simm.s32 $0x1;
	[sflag:s30] =	ssyncpa.u1 $0x1  }
0x2d: {  	[sflag:s31] =	ssyncpa.u1 $0x1  }
0x2e: {  	p0 =	sne.s32 s1, $0x0;
	_ =	strace $0x90000047  }
0x2f: {  	s0 =	sadd.s32 @!p0 $0x100000, s0;
	[bflag:$0x2] =	sbarrier.arrive $0xFFFF  }
0x30: {  	[sflag:s0] =	ssyncadd.tile.s32 @!p0 $0x1;
	_ =	shalt  }
.Lfunc_end2:
_tile_overlayer_lowered:
.L_overlay_start_2:
0x31: {  	(tag) =	ssettag $0x2  }
0x32: {  	s0 =	rddreg [dreg:$0x0];
	s2 =	stileid.u32  }
0x33: {  	s1 =	rddreg [dreg:$0x1];
	p0 =	sne.s32 s2, $0x0  }
0x34: {  	s3 =	rddreg [dreg:$0x2];
	[bflag:$0x3] =	sbarrier.arrive $0xFFFF;
	s2 =	simm.s32 @!p0 $0x1C01  }
0x35: {  	[timem:s3], [sflag:s2] =	dma.local @!p0 [hbm:s0], s1  }
0x36: {  	s0 =	simm.s32 @!p0 $0x1  }
0x37: {  	_ =	swait.ge @!p0 [sflag:s0], s1  }
0x38: {  	s1 =	ssub.s32 @!p0 $0x0, s1;
	[sflag:s0] =	ssyncset.done @!p0 $0x0  }
0x39: {  	[sflag:s0] =	ssyncadd.s32 @!p0 s1  }
0x3a: {  	[bflag:$0x3] =	sbarrier.arrive $0xFFFF  }
0x3b: {  	_ =	shalt  }

// kernel: kernel.6.cloned.1.call-start
scs
__scs_entry_jumppad:
0x0: {  	(pc) =	sbr.rel $0x88, $3  }
0x1: {  	(tag) =	ssettag $0x0;
	lr =	simm.s32 $0x1  }
0x2: {  	[smem:$0x3F9A] =	sst lr;
	_ =	strace $0xD0000000  }
0x3: {  	_ = 	snop  }
0x4: {  	_ = 	snop  }
0x5: {  	_ = 	snop  }
0x6: {  	_ = 	snop  }
0x7: {  	_ = 	snop  }
__scs_overlays_trampoline_lowered:
0x8: {  	[smem:$0x3FA9] =	sst s0  }
0x9: {  	[smem:$0x3FAA] =	sst s1  }
0xa: {  	[smem:$0x3FAB] =	sst s2  }
0xb: {  	[smem:$0x3FAC] =	sst s3  }
0xc: {  	[smem:$0x3FAD] =	sst s4  }
0xd: {  	[smem:$0x3FAE] =	sst s5  }
0xe: {  	[smem:$0x3FAF] =	sst s6  }
0xf: {  	[smem:$0x3FB0] =	sst s7  }
0x10: {  	[smem:$0x3FB1] =	sst s8  }
0x11: {  	[smem:$0x3FB2] =	sst s9;
	s0 =	simm.s32 @!p0 $0x0  }
0x12: {  	s1 =	sld [smem:$0x3F98];
	s0 =	simm.s32 @p0 $0x1  }
0x13: {  	[smem:$0x3FB3] =	sst s0;
	s0 =	simm.s32 @!p1 $0x0  }
0x14: {  	s2 =	sld [smem:$0x3F97];
	s0 =	simm.s32 @p1 $0x1  }
0x15: {  	[smem:$0x3FB4] =	sst s0;
	s0 =	simm.s32 @!p2 $0x0  }
0x16: {  	s3 =	sld [smem:$0x3FDB];
	s0 =	simm.s32 @p2 $0x1  }
0x17: {  	s4 =	simm.s32 $0x1BF5;
	[smem:$0x3FB6] =	sst s0  }
0x18: {  	s0 =	sld [smem:$0x3F99];
	_ =	swait.ge [sflag:s4], $0x0  }
0x19: {  	s7 =	sld [smem:$0x3F9A]  }
0x1a: {  	s8 =	sadd.s32 $0xFFFFE003, lr  }
0x1b: {  	s9 =	sadd.s32 $0xFFFFFEF7, lr;
	s5 =	simm.s32 $0xFFFFFFFF;
	p2 =	slt.u32 s8, $0xFFFFF086  }
0x1c: {  	p1 =	slt.u32 s9, $0xF7A;
	s5 =	simm.s32 @!p2 $0x0  }
0x1d: {  	s5 =	simm.s32 @p1 $0x1;
	p0 =	seq.s32 s7, s2  }
0x1e: {  	s7 =	smul.u32 @!p0 $0xF7A, s2;
	p2 =	seq.s32 @!p0 s5, $0x0  }
0x1f: {  	s9 =	smul.u32 $0xF7A, s1;
	s8 =	simm.s32 @!p0 $0x1BF5;
	p2 =	por !p2, p0  }
0x20: {  	[sflag:s8] =	ssyncset.s32 @!p0 $0xFFFFF086;
	s6 =	sadd.s32 @!p0 s3, s7;
	s7 =	simm.s32 @!p0 $0x108  }
0x21: {  	s3 =	sadd.s32 s3, s9;
	s6 =	sadd.s32 @!p0 $0x88, s6;
	s7 =	simm.s32 @p2 $0x1082  }
0x22: {  	[simem:s7], [sflag:s8] =	dma.local @!p0 [hbm:s6], $0xF7A  }
0x23: {  	s9 =	sor.u32 $0xD0000000, s2;
	s6 =	simm.s32 $0x108;
	_ =	swait.ge @!p0 [sflag:s8], $0x0  }
0x24: {  	s3 =	sadd.s32 $0x88, s3;
	s6 =	simm.s32 @!p1 $0x1082;
	[sflag:s4] =	ssyncset.s32 $0xFFFFF086  }
0x25: {  	[simem:s6], [sflag:s4] =	dma.local [hbm:s3], $0xF7A  }
0x26: {  	[smem:$0x3F9A] =	sst s1;
	(tag) =	ssettag s2;
	_ =	strace s9  }
0x27: {  	s1 =	sld [smem:$0x3FAA]  }
0x28: {  	s2 =	sld [smem:$0x3FAB]  }
0x29: {  	s4 =	sld [smem:$0x3FAD]  }
0x2a: {  	p0 =	seq.s32 s5, $0x0;
	s5 =	sld [smem:$0x3FAE]  }
0x2b: {  	s6 =	sld [smem:$0x3FAF]  }
0x2c: {  	s7 =	sld [smem:$0x3FB0]  }
0x2d: {  	s3 =	simm.s32 $0x108;
	s8 =	sld [smem:$0x3FB1]  }
0x2e: {  	s3 =	simm.s32 @!p0 $0x1082;
	s9 =	sld [smem:$0x3FB2]  }
0x2f: {  	lr =	sadd.s32 s0, s3;
	s0 =	sld [smem:$0x3FA9]  }
0x30: {  	s3 =	sld [smem:$0x3FAC]  }
0x31: {  	[smem:$0x3FB5] =	sst s10  }
0x32: {  	s10 =	sld [smem:$0x3FB3];
	_ =	sdelay $0x3  }
0x33: {  	p0 =	seq.s32 s10, $0x1;
	s10 =	sld [smem:$0x3FB5];
	_ =	sdelay $0x3  }
0x34: {  	[smem:$0x3FB5] =	sst s10  }
0x35: {  	s10 =	sld [smem:$0x3FB4];
	_ =	sdelay $0x3  }
0x36: {  	p1 =	seq.s32 s10, $0x1;
	s10 =	sld [smem:$0x3FB5];
	_ =	sdelay $0x3  }
0x37: {  	[smem:$0x3FB5] =	sst s10  }
0x38: {  	s10 =	sld [smem:$0x3FB6]  }
0x39: {  	_ = 	snop;
	(pc) =	sbr.ind lr, $3  }
0x3a: {  	_ = 	snop  }
0x3b: {  	_ = 	snop  }
0x3c: {  	p2 =	seq.s32 s10, $0x1;
	s10 =	sld [smem:$0x3FB5]  }
0x3d: {  	_ =	shalt  }
0x3e: {  	_ =	shalt  }
0x3f: {  	_ =	shalt  }
0x40: {  	_ =	shalt  }
0x41: {  	_ =	shalt  }
0x42: {  	_ =	shalt  }
0x43: {  	_ =	shalt  }
0x44: {  	_ =	shalt  }
0x45: {  	_ =	shalt  }
0x46: {  	_ =	shalt  }
0x47: {  	_ =	shalt  }
0x48: {  	_ =	shalt  }
0x49: {  	_ =	shalt  }
0x4a: {  	_ =	shalt  }
0x4b: {  	_ =	shalt  }
0x4c: {  	_ =	shalt  }
0x4d: {  	_ =	shalt  }
0x4e: {  	_ =	shalt  }
0x4f: {  	_ =	shalt  }
0x50: {  	_ =	shalt  }
0x51: {  	_ =	shalt  }
0x52: {  	_ =	shalt  }
0x53: {  	_ =	shalt  }
0x54: {  	_ =	shalt  }
0x55: {  	_ =	shalt  }
0x56: {  	_ =	shalt  }
0x57: {  	_ =	shalt  }
0x58: {  	_ =	shalt  }
0x59: {  	_ =	shalt  }
0x5a: {  	_ =	shalt  }
0x5b: {  	_ =	shalt  }
0x5c: {  	_ =	shalt  }
0x5d: {  	_ =	shalt  }
0x5e: {  	_ =	shalt  }
0x5f: {  	_ =	shalt  }
0x60: {  	_ =	shalt  }
0x61: {  	_ =	shalt  }
0x62: {  	_ =	shalt  }
0x63: {  	_ =	shalt  }
0x64: {  	_ =	shalt  }
0x65: {  	_ =	shalt  }
0x66: {  	_ =	shalt  }
0x67: {  	_ =	shalt  }
0x68: {  	_ =	shalt  }
0x69: {  	_ =	shalt  }
0x6a: {  	_ =	shalt  }
0x6b: {  	_ =	shalt  }
0x6c: {  	_ =	shalt  }
0x6d: {  	_ =	shalt  }
0x6e: {  	_ =	shalt  }
0x6f: {  	_ =	shalt  }
0x70: {  	_ =	shalt  }
0x71: {  	_ =	shalt  }
0x72: {  	_ =	shalt  }
0x73: {  	_ =	shalt  }
0x74: {  	_ =	shalt  }
0x75: {  	_ =	shalt  }
0x76: {  	_ =	shalt  }
0x77: {  	_ =	shalt  }
0x78: {  	_ =	shalt  }
0x79: {  	_ =	shalt  }
0x7a: {  	_ =	shalt  }
0x7b: {  	_ =	shalt  }
0x7c: {  	_ =	shalt  }
0x7d: {  	_ =	shalt  }
0x7e: {  	_ =	shalt  }
0x7f: {  	_ =	shalt  }
0x80: {  	_ =	shalt  }
0x81: {  	_ =	shalt  }
0x82: {  	_ =	shalt  }
0x83: {  	_ =	shalt  }
0x84: {  	_ =	shalt  }
0x85: {  	_ =	shalt  }
0x86: {  	_ =	shalt  }
0x87: {  	_ =	shalt  }
.Lfunc_end0:
.L_simem_size_0:
called_computation.2_lowered:
.L_overlay_start_0:
0x88: {  	s2 =	sld [smem:$0x3FD9]  }
0x89: {  	s3 =	sld [smem:$0x3FFE];
	_ =	sdelay $0x1  }
0x8a: {  	s1 =	srdreg.scid  }
0x8b: {  	s0 =	sand.u32 $0x1, s1  }
0x8c: {  	s17 =	sshll.u32 s0, $0xA;
	s2 =	sadd.s32 s3, s2  }
0x8d: {  	s2 =	sadd.s32 s2, s17  }
0x8e: {  	[smem:$0x3FC1] =	sst s2  }
0x8f: {  	_ = 	snop  }
0x90: {  	s2 =	sld [smem:$0x3FD0];
	(tm) =	ssettm $0x1  }
0x91: {  	s18 =	sld [smem:$0x3FFB];
	_ =	sdelay $0x3  }
0x92: {  	_ =	strace s18  }
0x93: {  	s3 =	sld [smem:$0x3FFC];
	_ =	sdelay $0x3  }
0x94: {  	_ =	strace s3  }
0x95: {  	s3 =	sld [smem:$0x3FFD];
	_ =	sdelay $0x3  }
0x96: {  	_ =	strace s3  }
0x97: {  	_ =	strace $0x8FFFFFFF  }
0x98: {  	s19 =	sld [smem:$0x3FDB];
	_ =	sdelay $0x1  }
0x99: {  	s4 =	simm.s32 $_scs_section_size  }
0x9a: {  	s5 =	simm.s32 $_size__tile_overlayer_lowered;
	s6 =	simm.s32 $_tile_overlayer_lowered  }
0x9b: {  	s22 =	simm.s32 $0x1BFF;
	s21 =	sshll.u32 s6, $0x1;
	s3 =	sadd.s32 s4, s19  }
0x9c: {  	s7 =	simm.s32 $0x0;
	s20 =	sshll.u32 s5, $0x1;
	s5 =	sadd.s32 s21, s3  }
0x9d: {  	[timem:s7], [sflag:s22] =	dma.local [hbm:s5], s20  }
0x9e: {  	_ =	swait.ge [sflag:s22], s20  }
0x9f: {  	s4 =	ssub.s32 $0x0, s20;
	[sflag:s22] =	ssyncset.done $0x0  }
0xa0: {  	[sflag:s22] =	ssyncadd.s32 s4;
	_ =	sdelay $0x1  }
0xa1: {  	s23 =	simm.s32 $0x1B8B  }
0xa2: {  	_ =	swait.ge [sflag:s23], $0x1  }
0xa3: {  	[sflag:s23] =	ssyncset.done $0x0  }
0xa4: {  	s25 =	simm.s32 $0x1B8E;
	s24 =	sld [smem:$0x3FFE];
	[sflag:s23] =	ssyncadd.s32 $0xFFFFFFFF  }
0xa5: {  	s26 =	simm.s32 $execute0_lowered;
	[smem:$0x3FD2] =	sst s25  }
0xa6: {  	s5 =	sshll.u32 s26, $0x1;
	_ =	strace $0x80000049;
	[dreg:$0x1] =	wrdreg $0xFFFFFFFF  }
0xa7: {  	s28 =	simm.s32 $_size_execute0_lowered;
	s3 =	sadd.s32 s3, s5;
	[dreg:$0x0] =	wrdreg $0x0  }
0xa8: {  	s5 =	sshll.u32 s28, $0x1;
	[dreg:$0x2] =	wrdreg s3  }
0xa9: {  	[dreg:$0x3] =	wrdreg s5  }
0xaa: {  	[dreg:$0x4] =	wrdreg $0xC0  }
0xab: {  	_ =	task [dreg:s7], $0x5FFFF  }
0xac: {  	[dreg:$0x1] =	wrdreg $0xFFFFFFFF  }
0xad: {  	[dreg:$0x0] =	wrdreg $0x60  }
0xae: {  	[dreg:$0x2] =	wrdreg s24  }
0xaf: {  	[dreg:$0x3] =	wrdreg s2  }
0xb0: {  	[dreg:$0x4] =	wrdreg $0x9  }
0xb1: {  	_ =	task.clear_ibuf [dreg:s7], $0x5FFFF;
	_ =	strace $0x90000049  }
0xb2: {  	s29 =	simm.s32 $0x9;
	_ =	strace $0x8000004B  }
0xb3: {  	_ =	swait.ge [sflag:s29], $0x1  }
0xb4: {  	[sflag:s29] =	ssyncadd.s32 $0xFFFFFFFF  }
0xb5: {  	_ =	strace $0x9000004B  }
0xb6: {  	_ =	sfence  }
0xb7: {  	s30 =	sld [smem:$0x0];
	_ =	sdelay $0x2  }
0xb8: {  	s31 =	sshll.u32 s1, $0xD;
	s1 =	sshrl.u32 s1, $0x2  }
0xb9: {  	s3 =	sand.u32 $0x4000, s31;
	s1 =	sadd.s32 s1, s30  }
0xba: {  	s0 =	sor.u32 s3, s0;
	s1 =	sshll.u32 s1, $0x11  }
0xbb: {  	s0 =	sor.u32 s1, s0  }
0xbc: {  	s0 =	sadd.s32 $0x8F2B, s0  }
0xbd: {  	[sflag:s0] =	ssyncadd.remote.s32 $0x1  }
0xbe: {  	_ =	sfence.sel $0xFFFF  }
0xbf: {  	[dreg:$0x0] =	wrdreg $0xFFFFFFFF;
	(pc) =	sbr.abs _section_cstart, $3  }
0xc0: {  	[dreg:$0x1] =	wrdreg $0xFFFFFFFF  }
0xc1: {  	_ =	task.clear_ibuf [dreg:s7], $0x2FFFF;
	_ =	strace $0x9FFFFFFF  }
0xc2: {  	(tm) =	ssettm $0x7FFFFFFF  }
0xc3: {  	_ =	shalt  }
tec
execute0_lowered:
.L_overlay_start_1:
0x0: {  	(tag) =	ssettag $0x1  }
0x1: {  	s1 =	srdreg.scid;
	s0 =	stileid.u32  }
0x2: {  	s5 =	rddreg [dreg:$0x0];
	s6 =	sand.u32 $0x1, s1;
	s30 =	sshll.u32 s0, $0x1  }
0x3: {  	s9 =	rddreg [dreg:$0x1];
	s2 =	simm.s32 $0x0;
	s10 =	sor.u32 s6, s30  }
0x4: {  	[smem:$0x7FF] =	sst s2;
	s3 =	smul.u32 $0x19, s10  }
0x5: {  	s7 =	simm.s32 $0x100;
	s1 =	rddreg [dreg:$0x2];
	_ =	strace $0x8000004A  }
0x6: {  	s11 =	ssub.s32 $0x2, s6;
	s4 =	sadd.s32 s5, s3;
	s3 =	simm.s32 $0x2  }
0x7: {  	[tilespmem:s2], [sflag:$0x2] =	stream.linear.gather [hbm4b:s4+s2], $0xC8, $0x38;
	[tilespmem:$0x6500] =	vst v63  }
0x8: {  	s8 =	simm.s32 $0x1;
	s12 =	sshrl.u32 s11, $0x1;
	_ =	swait.ge [sflag:s3], $0xC8  }
0x9: {  	s6 =	simm.s32 $0xC8;
	s11 =	ssub.s32 s11, s12;
	[sflag:s3] =	ssyncset.done $0x0  }
0xa: {  	s5 =	sadd.s32 $0x2800, s5;
	s31 =	smax.u32 s11, $0x1;
	[sflag:s3] =	ssyncadd.s32 $0xFFFFFF38  }
0xb: {  	[tilespmem:s7], [sflag:$0x1] =	stream.indirect.gather [hbm4b:s5+s6], $0x80, s2, s6, $0xb8;
	[tilespmem:$0x6500] =	vst v63  }
0xc: {  	s10 =	smul.u32 $0xC80, s10;
	p0 =	sne.s32 s31, $0x1;
	_ =	swait.ge [sflag:s8], $0x6400  }
.Ltmp0:
0xd: {  	[sflag:s8] =	ssyncset.done $0x0;
	(pc) =	sbr.rel @!p0 .LBB2_2-.Ltmp0, $4  }
0xe: {  	s9 =	sadd.s32 s9, s10;
	[sflag:s8] =	ssyncadd.s32 $0xFFFF9C00  }
0xf: {  	[hbm4b:s9+s2] =	stream.linear.scatter [tilespmem:s7], [sflag:$0x2], $0x6400, $0x38;
	[tilespmem:$0x6500] =	vst v63  }
0x10: {  	_ =	swait.ge [sflag:s3], $0x6400  }
0x11: {  	s10 =	sadd.s32 $0xFFFFFFFF, s31;
	[sflag:s3] =	ssyncset.done $0x0  }
.LBB2_1:
0x12: {  	p0 =	sne.s32 s10, $0x1;
	s10 =	sadd.s32 $0xFFFFFFFF, s10;
	[sflag:s3] =	ssyncadd.s32 $0xFFFF9C00  }
0x13: {  	[tilespmem:s2], [sflag:$0x2] =	stream.linear.gather [hbm4b:s4+s2], $0xC8, $0x38;
	[tilespmem:$0x6500] =	vst v63  }
0x14: {  	_ =	swait.ge [sflag:s3], $0xC8  }
0x15: {  	[sflag:s3] =	ssyncset.done $0x0  }
0x16: {  	[sflag:s3] =	ssyncadd.s32 $0xFFFFFF38  }
0x17: {  	[tilespmem:s7], [sflag:$0x1] =	stream.indirect.gather [hbm4b:s5+s6], $0x80, s2, s6, $0xb8;
	[tilespmem:$0x6500] =	vst v63  }
0x18: {  	_ =	swait.ge [sflag:s8], $0x6400  }
.Ltmp1:
0x19: {  	[sflag:s8] =	ssyncset.done $0x0;
	(pc) =	sbr.rel @p0 .LBB2_1-.Ltmp1, $4  }
0x1a: {  	[sflag:s8] =	ssyncadd.s32 $0xFFFF9C00  }
0x1b: {  	[hbm4b:s9+s2] =	stream.linear.scatter [tilespmem:s7], [sflag:$0x2], $0x6400, $0x38;
	[tilespmem:$0x6500] =	vst v63  }
0x1c: {  	_ =	swait.ge [sflag:s3], $0x6400  }
0x1d: {  	[sflag:s3] =	ssyncset.done $0x0  }
.LBB2_2:
0x1e: {  	[sflag:s3] =	ssyncadd.s32 $0xFFFF9C00  }
0x1f: {  	_ =	sfence.sel $0x180000  }
0x20: {  	[bflag:$0x0] =	sbarrier.arrive $0xFFFF  }
0x21: {  	p0 =	sne.s32 s0, $0x0;
	_ =	strace $0x9000004A  }
0x22: {  	s0 =	sadd.s32 @!p0 $0x100000, s1;
	[bflag:$0x2] =	sbarrier.arrive $0xFFFF  }
0x23: {  	[sflag:s0] =	ssyncadd.tile.s32 @!p0 $0x1;
	_ =	shalt  }
.Lfunc_end2:
_tile_overlayer_lowered:
.L_overlay_start_2:
0x24: {  	(tag) =	ssettag $0x2  }
0x25: {  	s0 =	rddreg [dreg:$0x0];
	s2 =	stileid.u32  }
0x26: {  	s1 =	rddreg [dreg:$0x1];
	p0 =	sne.s32 s2, $0x0  }
0x27: {  	s3 =	rddreg [dreg:$0x2];
	[bflag:$0x3] =	sbarrier.arrive $0xFFFF;
	s2 =	simm.s32 @!p0 $0x1C02  }
0x28: {  	[timem:s3], [sflag:s2] =	dma.local @!p0 [hbm:s0], s1  }
0x29: {  	s0 =	simm.s32 @!p0 $0x2  }
0x2a: {  	_ =	swait.ge @!p0 [sflag:s0], s1  }
0x2b: {  	s1 =	ssub.s32 @!p0 $0x0, s1;
	[sflag:s0] =	ssyncset.done @!p0 $0x0  }
0x2c: {  	[sflag:s0] =	ssyncadd.s32 @!p0 s1  }
0x2d: {  	[bflag:$0x3] =	sbarrier.arrive $0xFFFF  }
0x2e: {  	_ =	shalt  }

</sc_bundles>
